<compile_context>
chip_gen: v7x
topology: tpu7x:2x2x1
jax: 0.10.2.dev20260603
libtpu: 0.0.44.dev20260713+nightly
codegen_flags: <defaults>
</compile_context>

<pallas_src>
import functools

import jax
import jax.numpy as jnp
from jax import lax
from jax.experimental import pallas as pl
from jax.experimental.pallas import tpu as pltpu
from jax.experimental.pallas import tpu_sc as plsc

N = 10000
NPAD = 10240
E = 320000
D = 128
H = 128
C = 40

NC = 2
NS = 16
NW = NC * NS
EPW = 10240
EPAD = NW * EPW
K = 128
NCHUNK = EPW // K
RPT = NPAD // NS

_mesh = plsc.VectorSubcoreMesh(core_axis_name="c", subcore_axis_name="s")


@functools.partial(
    pl.kernel,
    out_type=jax.ShapeDtypeStruct((NC * NPAD,), jnp.float32),
    mesh=_mesh,
    scratch_types=[
        pltpu.VMEM_SHARED((NPAD,), jnp.float32),
        pltpu.VMEM((2, 1, K), jnp.int32),
        pltpu.VMEM((K,), jnp.float32),
    ],
)
def _sc_degree(dst_hbm, zeros_hbm, out_hbm, deg_sh, ring, ones_v):
    core = lax.axis_index("c")
    sub = lax.axis_index("s")
    wid = sub * NC + core
    row0 = sub * RPT
    for r in range(K // 16):
        ones_v[pl.ds(16 * r, 16)] = jnp.ones((16,), jnp.float32)
    pltpu.sync_copy(zeros_hbm.at[pl.ds(row0, RPT)], deg_sh.at[pl.ds(row0, RPT)])
    plsc.subcore_barrier()

    pltpu.sync_copy(dst_hbm.at[wid, 0], ring.at[0])

    @pl.loop(0, NCHUNK, step=2)
    def _(j):
        for b in range(2):
            c = j + b

            @pl.when(c + 1 < NCHUNK)
            def _():
                pltpu.sync_copy(dst_hbm.at[wid, c + 1], ring.at[1 - b])

            pltpu.sync_copy(ones_v, deg_sh.at[ring.at[b, 0]], add=True)

    plsc.subcore_barrier()
    pltpu.sync_copy(deg_sh.at[pl.ds(row0, RPT)],
                    out_hbm.at[pl.ds(core * NPAD + row0, RPT)])


@functools.partial(
    pl.kernel,
    out_type=jax.ShapeDtypeStruct((NC, NPAD, H), jnp.float32),
    mesh=_mesh,
    scratch_types=[
        pltpu.VMEM_SHARED((NPAD, H), jnp.float32),
        pltpu.VMEM((NCHUNK, 1, K), jnp.int32),
        pltpu.VMEM((2, 1, K), jnp.int32),
        pltpu.VMEM((2, K, H), jnp.float32),
        pltpu.SemaphoreType.DMA,
        pltpu.SemaphoreType.DMA,
        pltpu.SemaphoreType.DMA,
        pltpu.SemaphoreType.DMA,
    ],
)
def _sc_scatter(hp_hbm, src_hbm, dst_hbm, zeros_hbm, out_hbm,
                agg_sh, src_v, ring_d, rows_v, gsem0, gsem1, dsem0, dsem1):
    core = lax.axis_index("c")
    sub = lax.axis_index("s")
    wid = sub * NC + core
    row0 = sub * RPT
    pltpu.sync_copy(zeros_hbm.at[pl.ds(row0, RPT)], agg_sh.at[pl.ds(row0, RPT)])
    pltpu.sync_copy(src_hbm.at[wid], src_v)
    plsc.subcore_barrier()

    pltpu.async_copy(dst_hbm.at[wid, 0], ring_d.at[0], dsem0)
    pltpu.async_copy(hp_hbm.at[src_v.at[0, 0]], rows_v.at[0], gsem0)

    @pl.loop(0, NCHUNK, step=2)
    def _(j):
        for b in range(2):
            c = j + b
            gsem_b = gsem0 if b == 0 else gsem1
            gsem_o = gsem1 if b == 0 else gsem0
            dsem_b = dsem0 if b == 0 else dsem1
            dsem_o = dsem1 if b == 0 else dsem0

            @pl.when(c + 1 < NCHUNK)
            def _():
                pltpu.async_copy(dst_hbm.at[wid, c + 1], ring_d.at[1 - b],
                                 dsem_o)
                pltpu.async_copy(hp_hbm.at[src_v.at[c + 1, 0]],
                                 rows_v.at[1 - b], gsem_o)

            pltpu.make_async_copy(hp_hbm.at[src_v.at[c, 0]],
                                  rows_v.at[b], gsem_b).wait()
            pltpu.make_async_copy(dst_hbm.at[wid, c], ring_d.at[b],
                                  dsem_b).wait()
            pltpu.sync_copy(rows_v.at[b], agg_sh.at[ring_d.at[b, 0]], add=True)

    plsc.subcore_barrier()
    pltpu.sync_copy(agg_sh.at[pl.ds(row0, RPT)],
                    out_hbm.at[core, pl.ds(row0, RPT)])


R = 1024
G = NPAD // R

_row = lambda i: (i, 0)
_fix = lambda i: (0, 0)
_CT = (((1,), (1,)), ((), ()))


def _dis(d0_ref, d1_ref):
    return lax.rsqrt(1.0 + d0_ref[...] + d1_ref[...])


def _tc_prep_body(x_ref, w_ref, b_ref, d0_ref, d1_ref, out_ref):
    h = lax.dot_general(x_ref[...], w_ref[...], _CT,
                        preferred_element_type=jnp.float32) + b_ref[...]
    out_ref[...] = _dis(d0_ref, d1_ref) * h


def _tc_layer_body(s0_ref, s1_ref, hp_ref, d0_ref, d1_ref, w_ref, b_ref,
                   out_ref):
    dis = _dis(d0_ref, d1_ref)
    t = dis * (s0_ref[...] + s1_ref[...] + hp_ref[...])
    h = lax.dot_general(t, w_ref[...], _CT,
                        preferred_element_type=jnp.float32) + b_ref[...]
    out_ref[...] = dis * jnp.maximum(h, 0.0)


def _tc_final_body(s0_ref, s1_ref, hp_ref, d0_ref, d1_ref, w_ref, b_ref,
                   wo_ref, bo_ref, out_ref):
    dis = _dis(d0_ref, d1_ref)
    t = dis * (s0_ref[...] + s1_ref[...] + hp_ref[...])
    h = lax.dot_general(t, w_ref[...], _CT,
                        preferred_element_type=jnp.float32) + b_ref[...]
    h = jnp.maximum(h, 0.0)
    out_ref[...] = lax.dot_general(h, wo_ref[...], _CT,
                                   preferred_element_type=jnp.float32) + bo_ref[...]


_deg_spec = pl.BlockSpec((R, 1), _row)
_feat_spec = pl.BlockSpec((R, H), _row)
_w_spec = pl.BlockSpec((H, H), _fix)
_b_spec = pl.BlockSpec((1, H), _fix)

_tc_prep = pl.pallas_call(
    _tc_prep_body,
    grid=(G,),
    in_specs=[pl.BlockSpec((R, D), _row), pl.BlockSpec((H, D), _fix),
              _b_spec, _deg_spec, _deg_spec],
    out_specs=_feat_spec,
    out_shape=jax.ShapeDtypeStruct((NPAD, H), jnp.float32),
)

_tc_layer = pl.pallas_call(
    _tc_layer_body,
    grid=(G,),
    in_specs=[_feat_spec, _feat_spec, _feat_spec, _deg_spec, _deg_spec,
              _w_spec, _b_spec],
    out_specs=_feat_spec,
    out_shape=jax.ShapeDtypeStruct((NPAD, H), jnp.float32),
)

_tc_final = pl.pallas_call(
    _tc_final_body,
    grid=(G,),
    in_specs=[_feat_spec, _feat_spec, _feat_spec, _deg_spec, _deg_spec,
              _w_spec, _b_spec, _w_spec, _b_spec],
    out_specs=_feat_spec,
    out_shape=jax.ShapeDtypeStruct((NPAD, H), jnp.float32),
)


@jax.jit
def kernel(x, edge_index, W_enc, b_enc, W1, b1, W2, b2, W_out, b_out):
    npw = EPW - E // NW
    srcw = edge_index[0].reshape(NW, E // NW)
    dstw = edge_index[1].reshape(NW, E // NW)
    src_i = jnp.concatenate(
        [srcw, jnp.zeros((NW, npw), jnp.int32)], axis=1).reshape(NW, NCHUNK, 1, K)
    dst_i = jnp.concatenate(
        [dstw, jnp.broadcast_to(N + jnp.arange(npw, dtype=jnp.int32), (NW, npw))],
        axis=1).reshape(NW, NCHUNK, 1, K)
    zeros_deg = jnp.zeros((NPAD,), jnp.float32)
    zeros_h = jnp.zeros((NPAD, H), jnp.float32)
    xp = jnp.zeros((NPAD, D), jnp.float32).at[:N].set(x)

    deg = _sc_degree(dst_i, zeros_deg)
    d0 = deg[:NPAD].reshape(NPAD, 1)
    d1 = deg[NPAD:].reshape(NPAD, 1)

    hp0 = _tc_prep(xp, W_enc, b_enc.reshape(1, H), d0, d1)
    s = _sc_scatter(hp0, src_i, dst_i, zeros_h)
    hp1 = _tc_layer(s[0], s[1], hp0, d0, d1, W1, b1.reshape(1, H))
    s2 = _sc_scatter(hp1, src_i, dst_i, zeros_h)

    wo = jnp.zeros((H, H), jnp.float32).at[:C].set(W_out)
    bo = jnp.zeros((1, H), jnp.float32).at[0, :C].set(b_out)
    out = _tc_final(s2[0], s2[1], hp1, d0, d1, W2, b2.reshape(1, H), wo, bo)
    return out[:N, :C]

# --- scband reference (transcript-rebuilt; emitter-appended) ---
"""Pipeline reference for scband-linear-graph-27951647163110 (READ-ONLY COPY).

The authoritative reference and input builder live on the scoring server;
editing this copy changes nothing except your own understanding.
"""

import jax, jax.numpy as jnp
import numpy as np

N = 10000
E = 320000
D = 128
H = 128
C = 40


def setup_inputs(seed: int = 0) -> dict:
    key = jax.random.key(seed)
    ks = jax.random.split(key, 8)
    x = jax.random.normal(ks[0], (N, D), dtype=jnp.float32)
    edge_index = jax.random.randint(ks[1], (2, E), 0, N, dtype=jnp.int32)
    W_enc = jax.random.normal(ks[2], (H, D), dtype=jnp.float32) * 0.05
    b_enc = jnp.zeros((H,), dtype=jnp.float32)
    W1 = jax.random.normal(ks[3], (H, H), dtype=jnp.float32) * 0.05
    b1 = jnp.zeros((H,), dtype=jnp.float32)
    W2 = jax.random.normal(ks[4], (H, H), dtype=jnp.float32) * 0.05
    b2 = jnp.zeros((H,), dtype=jnp.float32)
    W_out = jax.random.normal(ks[5], (C, H), dtype=jnp.float32) * 0.05
    b_out = jnp.zeros((C,), dtype=jnp.float32)
    return {"x": x, "edge_index": edge_index, "W_enc": W_enc, "b_enc": b_enc,
            "W1": W1, "b1": b1, "W2": W2, "b2": b2, "W_out": W_out, "b_out": b_out}


def reference(x, edge_index, W_enc, b_enc, W1, b1, W2, b2, W_out, b_out):
    # Add self-loops (PyG GCNConv default)
    loops = jnp.arange(N, dtype=edge_index.dtype)
    src = jnp.concatenate([edge_index[0], loops])
    dst = jnp.concatenate([edge_index[1], loops])
    # Symmetric normalization D^{-1/2} (A+I) D^{-1/2}
    deg = jnp.zeros((N,), dtype=jnp.float32).at[dst].add(1.0)
    dis = jax.lax.rsqrt(deg)
    norm = dis[src] * dis[dst]

    def gcn(h, W, b):
        m = h @ W.T
        agg = jnp.zeros_like(m).at[dst].add(norm[:, None] * m[src])
        return agg + b

    h = x @ W_enc.T + b_enc
    h = jax.nn.relu(gcn(h, W1, b1))
    h = jax.nn.relu(gcn(h, W2, b2))
    return h @ W_out.T + b_out

if __name__ == "__main__":
    import jax
    _d = setup_inputs()
    print(jax.jit(kernel)(*tuple(_d.values())))

</pallas_src>

<mosaic_0001>
#map = affine_map<(d0, d1) -> (0, 0, 0, 0)>
#map1 = affine_map<(d0, d1) -> (0)>
module attributes {stable_mosaic.version = 14 : i64} {
  func.func @_sc_degree(%arg0: i32, %arg1: i32, %arg2: memref<32x80x1x128xi32, #tpu.memory_space<hbm>>, %arg3: memref<10240xf32, #tpu.memory_space<hbm>>, %arg4: memref<20480xf32, #tpu.memory_space<hbm>>, %arg5: memref<10240xf32, #tpu.memory_space<vmem_shared>>, %arg6: memref<2x1x128xi32, #tpu.memory_space<vmem>>, %arg7: memref<128xf32, #tpu.memory_space<vmem>>) attributes {dimension_semantics = [#tpu.dimension_semantics<core_parallel>, #tpu.dimension_semantics<subcore_parallel>], iteration_bounds = array<i64: 2, 16>, scalar_prefetch = 0 : i64, scratch_operands = 3 : i64, tpu.core_type = #tpu.core_type<sc_vector_subcore>, window_params = [{transform_indices = #map}, {transform_indices = #map1}, {transform_indices = #map1}]} {
    %mul3A = arith.constant 2 : i32
    %mul3A_0 = arith.muli %arg1, %mul3A : i32
    %add3A = arith.addi %mul3A_0, %arg0 : i32
    %mul3A_1 = arith.constant 640 : i32
    %mul3A_2 = arith.muli %arg1, %mul3A_1 : i32
    %broadcast_in_dim3A = arith.constant 1.000000e+00 : f32
    %broadcast_in_dim3A_3 = vector.broadcast %broadcast_in_dim3A : f32 to vector<16xf32>
    %swap3A = arith.constant 0 : index
    %swap3A_4 = tpu.vector_load %arg7[%swap3A] {strides = array<i32>} : memref<128xf32, #tpu.memory_space<vmem>>, vector<16xf32>,
    %swap3A_5 = vector.shape_cast %swap3A_4 : vector<16xf32> to vector<16xf32>
    %swap3A_6 = vector.shape_cast %broadcast_in_dim3A_3 : vector<16xf32> to vector<16xf32>
    tpu.vector_store %arg7[%swap3A], %swap3A_6 {strides = array<i32>} : memref<128xf32, #tpu.memory_space<vmem>>, vector<16xf32>,
    %broadcast_in_dim3A_7 = arith.constant 1.000000e+00 : f32
    %broadcast_in_dim3A_8 = vector.broadcast %broadcast_in_dim3A_7 : f32 to vector<16xf32>
    %swap3A_9 = arith.constant 16 : index
    %swap3A_10 = tpu.vector_load %arg7[%swap3A_9] {strides = array<i32>} : memref<128xf32, #tpu.memory_space<vmem>>, vector<16xf32>,
    %swap3A_11 = vector.shape_cast %swap3A_10 : vector<16xf32> to vector<16xf32>
    %swap3A_12 = vector.shape_cast %broadcast_in_dim3A_8 : vector<16xf32> to vector<16xf32>
    tpu.vector_store %arg7[%swap3A_9], %swap3A_12 {strides = array<i32>} : memref<128xf32, #tpu.memory_space<vmem>>, vector<16xf32>,
    %broadcast_in_dim3A_13 = arith.constant 1.000000e+00 : f32
    %broadcast_in_dim3A_14 = vector.broadcast %broadcast_in_dim3A_13 : f32 to vector<16xf32>
    %swap3A_15 = arith.constant 32 : index
    %swap3A_16 = tpu.vector_load %arg7[%swap3A_15] {strides = array<i32>} : memref<128xf32, #tpu.memory_space<vmem>>, vector<16xf32>,
    %swap3A_17 = vector.shape_cast %swap3A_16 : vector<16xf32> to vector<16xf32>
    %swap3A_18 = vector.shape_cast %broadcast_in_dim3A_14 : vector<16xf32> to vector<16xf32>
    tpu.vector_store %arg7[%swap3A_15], %swap3A_18 {strides = array<i32>} : memref<128xf32, #tpu.memory_space<vmem>>, vector<16xf32>,
    %broadcast_in_dim3A_19 = arith.constant 1.000000e+00 : f32
    %broadcast_in_dim3A_20 = vector.broadcast %broadcast_in_dim3A_19 : f32 to vector<16xf32>
    %swap3A_21 = arith.constant 48 : index
    %swap3A_22 = tpu.vector_load %arg7[%swap3A_21] {strides = array<i32>} : memref<128xf32, #tpu.memory_space<vmem>>, vector<16xf32>,
    %swap3A_23 = vector.shape_cast %swap3A_22 : vector<16xf32> to vector<16xf32>
    %swap3A_24 = vector.shape_cast %broadcast_in_dim3A_20 : vector<16xf32> to vector<16xf32>
    tpu.vector_store %arg7[%swap3A_21], %swap3A_24 {strides = array<i32>} : memref<128xf32, #tpu.memory_space<vmem>>, vector<16xf32>,
    %broadcast_in_dim3A_25 = arith.constant 1.000000e+00 : f32
    %broadcast_in_dim3A_26 = vector.broadcast %broadcast_in_dim3A_25 : f32 to vector<16xf32>
    %swap3A_27 = arith.constant 64 : index
    %swap3A_28 = tpu.vector_load %arg7[%swap3A_27] {strides = array<i32>} : memref<128xf32, #tpu.memory_space<vmem>>, vector<16xf32>,
    %swap3A_29 = vector.shape_cast %swap3A_28 : vector<16xf32> to vector<16xf32>
    %swap3A_30 = vector.shape_cast %broadcast_in_dim3A_26 : vector<16xf32> to vector<16xf32>
    tpu.vector_store %arg7[%swap3A_27], %swap3A_30 {strides = array<i32>} : memref<128xf32, #tpu.memory_space<vmem>>, vector<16xf32>,
    %broadcast_in_dim3A_31 = arith.constant 1.000000e+00 : f32
    %broadcast_in_dim3A_32 = vector.broadcast %broadcast_in_dim3A_31 : f32 to vector<16xf32>
    %swap3A_33 = arith.constant 80 : index
    %swap3A_34 = tpu.vector_load %arg7[%swap3A_33] {strides = array<i32>} : memref<128xf32, #tpu.memory_space<vmem>>, vector<16xf32>,
    %swap3A_35 = vector.shape_cast %swap3A_34 : vector<16xf32> to vector<16xf32>
    %swap3A_36 = vector.shape_cast %broadcast_in_dim3A_32 : vector<16xf32> to vector<16xf32>
    tpu.vector_store %arg7[%swap3A_33], %swap3A_36 {strides = array<i32>} : memref<128xf32, #tpu.memory_space<vmem>>, vector<16xf32>,
    %broadcast_in_dim3A_37 = arith.constant 1.000000e+00 : f32
    %broadcast_in_dim3A_38 = vector.broadcast %broadcast_in_dim3A_37 : f32 to vector<16xf32>
    %swap3A_39 = arith.constant 96 : index
    %swap3A_40 = tpu.vector_load %arg7[%swap3A_39] {strides = array<i32>} : memref<128xf32, #tpu.memory_space<vmem>>, vector<16xf32>,
    %swap3A_41 = vector.shape_cast %swap3A_40 : vector<16xf32> to vector<16xf32>
    %swap3A_42 = vector.shape_cast %broadcast_in_dim3A_38 : vector<16xf32> to vector<16xf32>
    tpu.vector_store %arg7[%swap3A_39], %swap3A_42 {strides = array<i32>} : memref<128xf32, #tpu.memory_space<vmem>>, vector<16xf32>,
    %broadcast_in_dim3A_43 = arith.constant 1.000000e+00 : f32
    %broadcast_in_dim3A_44 = vector.broadcast %broadcast_in_dim3A_43 : f32 to vector<16xf32>
    %swap3A_45 = arith.constant 112 : index
    %swap3A_46 = tpu.vector_load %arg7[%swap3A_45] {strides = array<i32>} : memref<128xf32, #tpu.memory_space<vmem>>, vector<16xf32>,
    %swap3A_47 = vector.shape_cast %swap3A_46 : vector<16xf32> to vector<16xf32>
    %swap3A_48 = vector.shape_cast %broadcast_in_dim3A_44 : vector<16xf32> to vector<16xf32>
    tpu.vector_store %arg7[%swap3A_45], %swap3A_48 {strides = array<i32>} : memref<128xf32, #tpu.memory_space<vmem>>, vector<16xf32>,
    "tpu.region"() ({
      %run_scoped3A_58 = tpu.sem_alloc : memref<!tpu.dma_semaphore, #tpu.memory_space<semaphore_mem>>
      %dma_start3A = tpu.memref_slice %arg5[%mul3A_2] : memref<10240xf32, #tpu.memory_space<vmem_shared>> -> memref<640xf32, #tpu.memory_space<vmem_shared>>
      %dma_start3A_59 = tpu.memref_slice %arg3[%mul3A_2] : memref<10240xf32, #tpu.memory_space<hbm>> -> memref<640xf32, #tpu.memory_space<hbm>>
      tpu.enqueue_dma source(%dma_start3A_59 : memref<640xf32, #tpu.memory_space<hbm>>) target(%dma_start3A : memref<640xf32, #tpu.memory_space<vmem_shared>>) target_semaphore(%run_scoped3A_58 : memref<!tpu.dma_semaphore, #tpu.memory_space<semaphore_mem>>)
      %dma_wait3A = tpu.memref_slice %arg5[%mul3A_2] : memref<10240xf32, #tpu.memory_space<vmem_shared>> -> memref<640xf32, #tpu.memory_space<vmem_shared>>
      %dma_wait3A_60 = tpu.memref_slice %arg3[%mul3A_2] : memref<10240xf32, #tpu.memory_space<hbm>> -> memref<640xf32, #tpu.memory_space<hbm>>
      tpu.wait_dma2 semaphore(%run_scoped3A_58 : memref<!tpu.dma_semaphore, #tpu.memory_space<semaphore_mem>>) src(%dma_wait3A_60 : memref<640xf32, #tpu.memory_space<hbm>>) dst(%dma_wait3A : memref<640xf32, #tpu.memory_space<vmem_shared>>)
      tpu.yield
    }) : () -> ()
    %barrier3A = arith.constant 0 : index
    tpu.barrier barrier_id(%barrier3A)
    %run_scoped3A = arith.constant 0 : i32
    %run_scoped3A_49 = arith.constant 0 : i32
    "tpu.region"() ({
      %run_scoped3A_58 = tpu.sem_alloc : memref<!tpu.dma_semaphore, #tpu.memory_space<semaphore_mem>>
      %dma_start3A = arith.constant 0 : i32
      %dma_start3A_59 = arith.constant 0 : i32
      %dma_start3A_60 = tpu.memref_slice %arg6[%run_scoped3A_49, %dma_start3A, %dma_start3A_59] : memref<2x1x128xi32, #tpu.memory_space<vmem>> -> memref<1x1x128xi32, #tpu.memory_space<vmem>>
      %dma_start3A_61 = tpu.memref_squeeze %dma_start3A_60 : memref<1x1x128xi32, #tpu.memory_space<vmem>> -> memref<1x128xi32, #tpu.memory_space<vmem>>
      %dma_start3A_62 = arith.constant 0 : i32
      %dma_start3A_63 = arith.constant 0 : i32
      %dma_start3A_64 = tpu.memref_slice %arg2[%add3A, %run_scoped3A, %dma_start3A_62, %dma_start3A_63] : memref<32x80x1x128xi32, #tpu.memory_space<hbm>> -> memref<1x1x1x128xi32, #tpu.memory_space<hbm>>
      %dma_start3A_65 = tpu.memref_squeeze %dma_start3A_64 : memref<1x1x1x128xi32, #tpu.memory_space<hbm>> -> memref<1x128xi32, #tpu.memory_space<hbm>>
      %dma_start3A_66 = arith.constant 0 : i32
      %dma_start3A_67 = arith.constant 0 : i32
      %dma_start3A_68 = tpu.memref_slice %arg6[%run_scoped3A_49, %dma_start3A_66, %dma_start3A_67] : memref<2x1x128xi32, #tpu.memory_space<vmem>> -> memref<1x1x128xi32, #tpu.memory_space<vmem>>
      %dma_start3A_69 = tpu.memref_squeeze %dma_start3A_68 : memref<1x1x128xi32, #tpu.memory_space<vmem>> -> memref<1x128xi32, #tpu.memory_space<vmem>>
      %dma_start3A_70 = arith.constant 0 : i32
      %dma_start3A_71 = arith.constant 0 : i32
      %dma_start3A_72 = tpu.memref_slice %arg2[%add3A, %run_scoped3A, %dma_start3A_70, %dma_start3A_71] : memref<32x80x1x128xi32, #tpu.memory_space<hbm>> -> memref<1x1x1x128xi32, #tpu.memory_space<hbm>>
      %dma_start3A_73 = tpu.memref_squeeze %dma_start3A_72 : memref<1x1x1x128xi32, #tpu.memory_space<hbm>> -> memref<1x128xi32, #tpu.memory_space<hbm>>
      tpu.enqueue_dma source(%dma_start3A_73 : memref<1x128xi32, #tpu.memory_space<hbm>>) target(%dma_start3A_69 : memref<1x128xi32, #tpu.memory_space<vmem>>) target_semaphore(%run_scoped3A_58 : memref<!tpu.dma_semaphore, #tpu.memory_space<semaphore_mem>>)
      %dma_wait3A = arith.constant 0 : i32
      %dma_wait3A_74 = arith.constant 0 : i32
      %dma_wait3A_75 = tpu.memref_slice %arg6[%run_scoped3A_49, %dma_wait3A, %dma_wait3A_74] : memref<2x1x128xi32, #tpu.memory_space<vmem>> -> memref<1x1x128xi32, #tpu.memory_space<vmem>>
      %dma_wait3A_76 = tpu.memref_squeeze %dma_wait3A_75 : memref<1x1x128xi32, #tpu.memory_space<vmem>> -> memref<1x128xi32, #tpu.memory_space<vmem>>
      %dma_wait3A_77 = arith.constant 0 : i32
      %dma_wait3A_78 = arith.constant 0 : i32
      %dma_wait3A_79 = tpu.memref_slice %arg2[%add3A, %run_scoped3A, %dma_wait3A_77, %dma_wait3A_78] : memref<32x80x1x128xi32, #tpu.memory_space<hbm>> -> memref<1x1x1x128xi32, #tpu.memory_space<hbm>>
      %dma_wait3A_80 = tpu.memref_squeeze %dma_wait3A_79 : memref<1x1x1x128xi32, #tpu.memory_space<hbm>> -> memref<1x128xi32, #tpu.memory_space<hbm>>
      %dma_wait3A_81 = arith.constant 0 : i32
      %dma_wait3A_82 = arith.constant 0 : i32
      %dma_wait3A_83 = tpu.memref_slice %arg6[%run_scoped3A_49, %dma_wait3A_81, %dma_wait3A_82] : memref<2x1x128xi32, #tpu.memory_space<vmem>> -> memref<1x1x128xi32, #tpu.memory_space<vmem>>
      %dma_wait3A_84 = tpu.memref_squeeze %dma_wait3A_83 : memref<1x1x128xi32, #tpu.memory_space<vmem>> -> memref<1x128xi32, #tpu.memory_space<vmem>>
      %dma_wait3A_85 = arith.constant 0 : i32
      %dma_wait3A_86 = arith.constant 0 : i32
      %dma_wait3A_87 = tpu.memref_slice %arg2[%add3A, %run_scoped3A, %dma_wait3A_85, %dma_wait3A_86] : memref<32x80x1x128xi32, #tpu.memory_space<hbm>> -> memref<1x1x1x128xi32, #tpu.memory_space<hbm>>
      %dma_wait3A_88 = tpu.memref_squeeze %dma_wait3A_87 : memref<1x1x1x128xi32, #tpu.memory_space<hbm>> -> memref<1x128xi32, #tpu.memory_space<hbm>>
      tpu.wait_dma2 semaphore(%run_scoped3A_58 : memref<!tpu.dma_semaphore, #tpu.memory_space<semaphore_mem>>) src(%dma_wait3A_88 : memref<1x128xi32, #tpu.memory_space<hbm>>) dst(%dma_wait3A_84 : memref<1x128xi32, #tpu.memory_space<vmem>>)
      tpu.yield
    }) : () -> ()
    %scan3A = arith.constant 0 : i32
    %scan3A_50 = arith.constant 40 : i32
    %scan3A_51 = arith.addi %scan3A, %scan3A_50 : i32
    %scan3A_52 = arith.constant 1 : i32
    scf.for %scan3A_58 = %scan3A to %scan3A_51 step %scan3A_52  : i32 {
      %mul3A_59 = arith.constant 2 : i32
      %mul3A_60 = arith.muli %scan3A_58, %mul3A_59 : i32
      %add3A_61 = arith.constant 0 : i32
      %add3A_62 = arith.addi %add3A_61, %mul3A_60 : i32
      %add3A_63 = arith.constant 0 : i32
      %add3A_64 = arith.addi %add3A_62, %add3A_63 : i32
      %add3A_65 = arith.constant 1 : i32
      %add3A_66 = arith.addi %add3A_64, %add3A_65 : i32
      %lt3A = arith.constant 80 : i32
      %lt3A_67 = arith.cmpi slt, %add3A_66, %lt3A : i32
      %convert_element_type3A = arith.extui %lt3A_67 : i1 to i32
      %cond3A = arith.constant 0 : i32
      %cond3A_68 = arith.cmpi ne, %convert_element_type3A, %cond3A : i32
      scf.if %cond3A_68 {
        %add3A_82 = arith.constant 1 : i32
        %add3A_83 = arith.addi %add3A_64, %add3A_82 : i32
        %run_scoped3A_84 = arith.constant 1 : i32
        "tpu.region"() ({
          %run_scoped3A_85 = tpu.sem_alloc : memref<!tpu.dma_semaphore, #tpu.memory_space<semaphore_mem>>
          %dma_start3A = arith.constant 0 : i32
          %dma_start3A_86 = arith.constant 0 : i32
          %dma_start3A_87 = tpu.memref_slice %arg6[%run_scoped3A_84, %dma_start3A, %dma_start3A_86] : memref<2x1x128xi32, #tpu.memory_space<vmem>> -> memref<1x1x128xi32, #tpu.memory_space<vmem>>
          %dma_start3A_88 = tpu.memref_squeeze %dma_start3A_87 : memref<1x1x128xi32, #tpu.memory_space<vmem>> -> memref<1x128xi32, #tpu.memory_space<vmem>>
          %dma_start3A_89 = arith.constant 0 : i32
          %dma_start3A_90 = arith.constant 0 : i32
          %dma_start3A_91 = tpu.memref_slice %arg2[%add3A, %add3A_83, %dma_start3A_89, %dma_start3A_90] : memref<32x80x1x128xi32, #tpu.memory_space<hbm>> -> memref<1x1x1x128xi32, #tpu.memory_space<hbm>>
          %dma_start3A_92 = tpu.memref_squeeze %dma_start3A_91 : memref<1x1x1x128xi32, #tpu.memory_space<hbm>> -> memref<1x128xi32, #tpu.memory_space<hbm>>
          %dma_start3A_93 = arith.constant 0 : i32
          %dma_start3A_94 = arith.constant 0 : i32
          %dma_start3A_95 = tpu.memref_slice %arg6[%run_scoped3A_84, %dma_start3A_93, %dma_start3A_94] : memref<2x1x128xi32, #tpu.memory_space<vmem>> -> memref<1x1x128xi32, #tpu.memory_space<vmem>>
          %dma_start3A_96 = tpu.memref_squeeze %dma_start3A_95 : memref<1x1x128xi32, #tpu.memory_space<vmem>> -> memref<1x128xi32, #tpu.memory_space<vmem>>
          %dma_start3A_97 = arith.constant 0 : i32
          %dma_start3A_98 = arith.constant 0 : i32
          %dma_start3A_99 = tpu.memref_slice %arg2[%add3A, %add3A_83, %dma_start3A_97, %dma_start3A_98] : memref<32x80x1x128xi32, #tpu.memory_space<hbm>> -> memref<1x1x1x128xi32, #tpu.memory_space<hbm>>
          %dma_start3A_100 = tpu.memref_squeeze %dma_start3A_99 : memref<1x1x1x128xi32, #tpu.memory_space<hbm>> -> memref<1x128xi32, #tpu.memory_space<hbm>>
          tpu.enqueue_dma source(%dma_start3A_100 : memref<1x128xi32, #tpu.memory_space<hbm>>) target(%dma_start3A_96 : memref<1x128xi32, #tpu.memory_space<vmem>>) target_semaphore(%run_scoped3A_85 : memref<!tpu.dma_semaphore, #tpu.memory_space<semaphore_mem>>)
          %dma_wait3A = arith.constant 0 : i32
          %dma_wait3A_101 = arith.constant 0 : i32
          %dma_wait3A_102 = tpu.memref_slice %arg6[%run_scoped3A_84, %dma_wait3A, %dma_wait3A_101] : memref<2x1x128xi32, #tpu.memory_space<vmem>> -> memref<1x1x128xi32, #tpu.memory_space<vmem>>
          %dma_wait3A_103 = tpu.memref_squeeze %dma_wait3A_102 : memref<1x1x128xi32, #tpu.memory_space<vmem>> -> memref<1x128xi32, #tpu.memory_space<vmem>>
          %dma_wait3A_104 = arith.constant 0 : i32
          %dma_wait3A_105 = arith.constant 0 : i32
          %dma_wait3A_106 = tpu.memref_slice %arg2[%add3A, %add3A_83, %dma_wait3A_104, %dma_wait3A_105] : memref<32x80x1x128xi32, #tpu.memory_space<hbm>> -> memref<1x1x1x128xi32, #tpu.memory_space<hbm>>
          %dma_wait3A_107 = tpu.memref_squeeze %dma_wait3A_106 : memref<1x1x1x128xi32, #tpu.memory_space<hbm>> -> memref<1x128xi32, #tpu.memory_space<hbm>>
          %dma_wait3A_108 = arith.constant 0 : i32
          %dma_wait3A_109 = arith.constant 0 : i32
          %dma_wait3A_110 = tpu.memref_slice %arg6[%run_scoped3A_84, %dma_wait3A_108, %dma_wait3A_109] : memref<2x1x128xi32, #tpu.memory_space<vmem>> -> memref<1x1x128xi32, #tpu.memory_space<vmem>>
          %dma_wait3A_111 = tpu.memref_squeeze %dma_wait3A_110 : memref<1x1x128xi32, #tpu.memory_space<vmem>> -> memref<1x128xi32, #tpu.memory_space<vmem>>
          %dma_wait3A_112 = arith.constant 0 : i32
          %dma_wait3A_113 = arith.constant 0 : i32
          %dma_wait3A_114 = tpu.memref_slice %arg2[%add3A, %add3A_83, %dma_wait3A_112, %dma_wait3A_113] : memref<32x80x1x128xi32, #tpu.memory_space<hbm>> -> memref<1x1x1x128xi32, #tpu.memory_space<hbm>>
          %dma_wait3A_115 = tpu.memref_squeeze %dma_wait3A_114 : memref<1x1x1x128xi32, #tpu.memory_space<hbm>> -> memref<1x128xi32, #tpu.memory_space<hbm>>
          tpu.wait_dma2 semaphore(%run_scoped3A_85 : memref<!tpu.dma_semaphore, #tpu.memory_space<semaphore_mem>>) src(%dma_wait3A_115 : memref<1x128xi32, #tpu.memory_space<hbm>>) dst(%dma_wait3A_111 : memref<1x128xi32, #tpu.memory_space<vmem>>)
          tpu.yield
        }) : () -> ()
      } else {
      }
      %run_scoped3A_69 = arith.constant 0 : i32
      %run_scoped3A_70 = arith.constant 0 : i32
      "tpu.region"() ({
        %run_scoped3A_82 = tpu.sem_alloc : memref<!tpu.dma_semaphore, #tpu.memory_space<semaphore_mem>>
        %dma_start3A = arith.constant 0 : i32
        %dma_start3A_83 = tpu.memref_slice %arg6[%run_scoped3A_69, %run_scoped3A_70, %dma_start3A] : memref<2x1x128xi32, #tpu.memory_space<vmem>> -> memref<1x1x128xi32, #tpu.memory_space<vmem>>
        %dma_start3A_84 = tpu.memref_squeeze %dma_start3A_83 : memref<1x1x128xi32, #tpu.memory_space<vmem>> -> memref<128xi32, #tpu.memory_space<vmem>>
        %dma_start3A_85 = arith.constant 0 : i32
        %dma_start3A_86 = tpu.memref_slice %arg5[%dma_start3A_85] : memref<10240xf32, #tpu.memory_space<vmem_shared>> -> memref<10240xf32, #tpu.memory_space<vmem_shared>>
        tpu.enqueue_indirect_dma source(%arg7 : memref<128xf32, #tpu.memory_space<vmem>>) target(%dma_start3A_86 : memref<10240xf32, #tpu.memory_space<vmem_shared>>) offsets(%dma_start3A_84 : memref<128xi32, #tpu.memory_space<vmem>>) semaphore(%run_scoped3A_82 : memref<!tpu.dma_semaphore, #tpu.memory_space<semaphore_mem>>) {add = true}
        %dma_wait3A = arith.constant 0 : i32
        %dma_wait3A_87 = tpu.memref_slice %arg6[%run_scoped3A_69, %run_scoped3A_70, %dma_wait3A] : memref<2x1x128xi32, #tpu.memory_space<vmem>> -> memref<1x1x128xi32, #tpu.memory_space<vmem>>
        %dma_wait3A_88 = tpu.memref_squeeze %dma_wait3A_87 : memref<1x1x128xi32, #tpu.memory_space<vmem>> -> memref<128xi32, #tpu.memory_space<vmem>>
        %dma_wait3A_89 = arith.constant 0 : i32
        %dma_wait3A_90 = tpu.memref_slice %arg5[%dma_wait3A_89] : memref<10240xf32, #tpu.memory_space<vmem_shared>> -> memref<10240xf32, #tpu.memory_space<vmem_shared>>
        tpu.wait_indirect_dma semaphore(%run_scoped3A_82 : memref<!tpu.dma_semaphore, #tpu.memory_space<semaphore_mem>>) src(%arg7 : memref<128xf32, #tpu.memory_space<vmem>>) dst(%dma_wait3A_90 : memref<10240xf32, #tpu.memory_space<vmem_shared>>)
        tpu.yield
      }) : () -> ()
      %add3A_71 = arith.constant 1 : i32
      %add3A_72 = arith.addi %add3A_62, %add3A_71 : i32
      %add3A_73 = arith.constant 1 : i32
      %add3A_74 = arith.addi %add3A_72, %add3A_73 : i32
      %lt3A_75 = arith.constant 80 : i32
      %lt3A_76 = arith.cmpi slt, %add3A_74, %lt3A_75 : i32
      %convert_element_type3A_77 = arith.extui %lt3A_76 : i1 to i32
      %cond3A_78 = arith.constant 0 : i32
      %cond3A_79 = arith.cmpi ne, %convert_element_type3A_77, %cond3A_78 : i32
      scf.if %cond3A_79 {
        %add3A_82 = arith.constant 1 : i32
        %add3A_83 = arith.addi %add3A_72, %add3A_82 : i32
        %run_scoped3A_84 = arith.constant 0 : i32
        "tpu.region"() ({
          %run_scoped3A_85 = tpu.sem_alloc : memref<!tpu.dma_semaphore, #tpu.memory_space<semaphore_mem>>
          %dma_start3A = arith.constant 0 : i32
          %dma_start3A_86 = arith.constant 0 : i32
          %dma_start3A_87 = tpu.memref_slice %arg6[%run_scoped3A_84, %dma_start3A, %dma_start3A_86] : memref<2x1x128xi32, #tpu.memory_space<vmem>> -> memref<1x1x128xi32, #tpu.memory_space<vmem>>
          %dma_start3A_88 = tpu.memref_squeeze %dma_start3A_87 : memref<1x1x128xi32, #tpu.memory_space<vmem>> -> memref<1x128xi32, #tpu.memory_space<vmem>>
          %dma_start3A_89 = arith.constant 0 : i32
          %dma_start3A_90 = arith.constant 0 : i32
          %dma_start3A_91 = tpu.memref_slice %arg2[%add3A, %add3A_83, %dma_start3A_89, %dma_start3A_90] : memref<32x80x1x128xi32, #tpu.memory_space<hbm>> -> memref<1x1x1x128xi32, #tpu.memory_space<hbm>>
          %dma_start3A_92 = tpu.memref_squeeze %dma_start3A_91 : memref<1x1x1x128xi32, #tpu.memory_space<hbm>> -> memref<1x128xi32, #tpu.memory_space<hbm>>
          %dma_start3A_93 = arith.constant 0 : i32
          %dma_start3A_94 = arith.constant 0 : i32
          %dma_start3A_95 = tpu.memref_slice %arg6[%run_scoped3A_84, %dma_start3A_93, %dma_start3A_94] : memref<2x1x128xi32, #tpu.memory_space<vmem>> -> memref<1x1x128xi32, #tpu.memory_space<vmem>>
          %dma_start3A_96 = tpu.memref_squeeze %dma_start3A_95 : memref<1x1x128xi32, #tpu.memory_space<vmem>> -> memref<1x128xi32, #tpu.memory_space<vmem>>
          %dma_start3A_97 = arith.constant 0 : i32
          %dma_start3A_98 = arith.constant 0 : i32
          %dma_start3A_99 = tpu.memref_slice %arg2[%add3A, %add3A_83, %dma_start3A_97, %dma_start3A_98] : memref<32x80x1x128xi32, #tpu.memory_space<hbm>> -> memref<1x1x1x128xi32, #tpu.memory_space<hbm>>
          %dma_start3A_100 = tpu.memref_squeeze %dma_start3A_99 : memref<1x1x1x128xi32, #tpu.memory_space<hbm>> -> memref<1x128xi32, #tpu.memory_space<hbm>>
          tpu.enqueue_dma source(%dma_start3A_100 : memref<1x128xi32, #tpu.memory_space<hbm>>) target(%dma_start3A_96 : memref<1x128xi32, #tpu.memory_space<vmem>>) target_semaphore(%run_scoped3A_85 : memref<!tpu.dma_semaphore, #tpu.memory_space<semaphore_mem>>)
          %dma_wait3A = arith.constant 0 : i32
          %dma_wait3A_101 = arith.constant 0 : i32
          %dma_wait3A_102 = tpu.memref_slice %arg6[%run_scoped3A_84, %dma_wait3A, %dma_wait3A_101] : memref<2x1x128xi32, #tpu.memory_space<vmem>> -> memref<1x1x128xi32, #tpu.memory_space<vmem>>
          %dma_wait3A_103 = tpu.memref_squeeze %dma_wait3A_102 : memref<1x1x128xi32, #tpu.memory_space<vmem>> -> memref<1x128xi32, #tpu.memory_space<vmem>>
          %dma_wait3A_104 = arith.constant 0 : i32
          %dma_wait3A_105 = arith.constant 0 : i32
          %dma_wait3A_106 = tpu.memref_slice %arg2[%add3A, %add3A_83, %dma_wait3A_104, %dma_wait3A_105] : memref<32x80x1x128xi32, #tpu.memory_space<hbm>> -> memref<1x1x1x128xi32, #tpu.memory_space<hbm>>
          %dma_wait3A_107 = tpu.memref_squeeze %dma_wait3A_106 : memref<1x1x1x128xi32, #tpu.memory_space<hbm>> -> memref<1x128xi32, #tpu.memory_space<hbm>>
          %dma_wait3A_108 = arith.constant 0 : i32
          %dma_wait3A_109 = arith.constant 0 : i32
          %dma_wait3A_110 = tpu.memref_slice %arg6[%run_scoped3A_84, %dma_wait3A_108, %dma_wait3A_109] : memref<2x1x128xi32, #tpu.memory_space<vmem>> -> memref<1x1x128xi32, #tpu.memory_space<vmem>>
          %dma_wait3A_111 = tpu.memref_squeeze %dma_wait3A_110 : memref<1x1x128xi32, #tpu.memory_space<vmem>> -> memref<1x128xi32, #tpu.memory_space<vmem>>
          %dma_wait3A_112 = arith.constant 0 : i32
          %dma_wait3A_113 = arith.constant 0 : i32
          %dma_wait3A_114 = tpu.memref_slice %arg2[%add3A, %add3A_83, %dma_wait3A_112, %dma_wait3A_113] : memref<32x80x1x128xi32, #tpu.memory_space<hbm>> -> memref<1x1x1x128xi32, #tpu.memory_space<hbm>>
          %dma_wait3A_115 = tpu.memref_squeeze %dma_wait3A_114 : memref<1x1x1x128xi32, #tpu.memory_space<hbm>> -> memref<1x128xi32, #tpu.memory_space<hbm>>
          tpu.wait_dma2 semaphore(%run_scoped3A_85 : memref<!tpu.dma_semaphore, #tpu.memory_space<semaphore_mem>>) src(%dma_wait3A_115 : memref<1x128xi32, #tpu.memory_space<hbm>>) dst(%dma_wait3A_111 : memref<1x128xi32, #tpu.memory_space<vmem>>)
          tpu.yield
        }) : () -> ()
      } else {
      }
      %run_scoped3A_80 = arith.constant 1 : i32
      %run_scoped3A_81 = arith.constant 0 : i32
      "tpu.region"() ({
        %run_scoped3A_82 = tpu.sem_alloc : memref<!tpu.dma_semaphore, #tpu.memory_space<semaphore_mem>>
        %dma_start3A = arith.constant 0 : i32
        %dma_start3A_83 = tpu.memref_slice %arg6[%run_scoped3A_80, %run_scoped3A_81, %dma_start3A] : memref<2x1x128xi32, #tpu.memory_space<vmem>> -> memref<1x1x128xi32, #tpu.memory_space<vmem>>
        %dma_start3A_84 = tpu.memref_squeeze %dma_start3A_83 : memref<1x1x128xi32, #tpu.memory_space<vmem>> -> memref<128xi32, #tpu.memory_space<vmem>>
        %dma_start3A_85 = arith.constant 0 : i32
        %dma_start3A_86 = tpu.memref_slice %arg5[%dma_start3A_85] : memref<10240xf32, #tpu.memory_space<vmem_shared>> -> memref<10240xf32, #tpu.memory_space<vmem_shared>>
        tpu.enqueue_indirect_dma source(%arg7 : memref<128xf32, #tpu.memory_space<vmem>>) target(%dma_start3A_86 : memref<10240xf32, #tpu.memory_space<vmem_shared>>) offsets(%dma_start3A_84 : memref<128xi32, #tpu.memory_space<vmem>>) semaphore(%run_scoped3A_82 : memref<!tpu.dma_semaphore, #tpu.memory_space<semaphore_mem>>) {add = true}
        %dma_wait3A = arith.constant 0 : i32
        %dma_wait3A_87 = tpu.memref_slice %arg6[%run_scoped3A_80, %run_scoped3A_81, %dma_wait3A] : memref<2x1x128xi32, #tpu.memory_space<vmem>> -> memref<1x1x128xi32, #tpu.memory_space<vmem>>
        %dma_wait3A_88 = tpu.memref_squeeze %dma_wait3A_87 : memref<1x1x128xi32, #tpu.memory_space<vmem>> -> memref<128xi32, #tpu.memory_space<vmem>>
        %dma_wait3A_89 = arith.constant 0 : i32
        %dma_wait3A_90 = tpu.memref_slice %arg5[%dma_wait3A_89] : memref<10240xf32, #tpu.memory_space<vmem_shared>> -> memref<10240xf32, #tpu.memory_space<vmem_shared>>
        tpu.wait_indirect_dma semaphore(%run_scoped3A_82 : memref<!tpu.dma_semaphore, #tpu.memory_space<semaphore_mem>>) src(%arg7 : memref<128xf32, #tpu.memory_space<vmem>>) dst(%dma_wait3A_90 : memref<10240xf32, #tpu.memory_space<vmem_shared>>)
        tpu.yield
      }) : () -> ()
    }
    %scan3A_53 = arith.constant 40 : i32
    %barrier3A_54 = arith.constant 0 : index
    tpu.barrier barrier_id(%barrier3A_54)
    %mul3A_55 = arith.constant 10240 : i32
    %mul3A_56 = arith.muli %arg0, %mul3A_55 : i32
    %add3A_57 = arith.addi %mul3A_56, %mul3A_2 : i32
    "tpu.region"() ({
      %run_scoped3A_58 = tpu.sem_alloc : memref<!tpu.dma_semaphore, #tpu.memory_space<semaphore_mem>>
      %dma_start3A = tpu.memref_slice %arg4[%add3A_57] : memref<20480xf32, #tpu.memory_space<hbm>> -> memref<640xf32, #tpu.memory_space<hbm>>
      %dma_start3A_59 = tpu.memref_slice %arg5[%mul3A_2] : memref<10240xf32, #tpu.memory_space<vmem_shared>> -> memref<640xf32, #tpu.memory_space<vmem_shared>>
      tpu.enqueue_dma source(%dma_start3A_59 : memref<640xf32, #tpu.memory_space<vmem_shared>>) target(%dma_start3A : memref<640xf32, #tpu.memory_space<hbm>>) target_semaphore(%run_scoped3A_58 : memref<!tpu.dma_semaphore, #tpu.memory_space<semaphore_mem>>)
      %dma_wait3A = tpu.memref_slice %arg4[%add3A_57] : memref<20480xf32, #tpu.memory_space<hbm>> -> memref<640xf32, #tpu.memory_space<hbm>>
      %dma_wait3A_60 = tpu.memref_slice %arg5[%mul3A_2] : memref<10240xf32, #tpu.memory_space<vmem_shared>> -> memref<640xf32, #tpu.memory_space<vmem_shared>>
      tpu.wait_dma2 semaphore(%run_scoped3A_58 : memref<!tpu.dma_semaphore, #tpu.memory_space<semaphore_mem>>) src(%dma_wait3A_60 : memref<640xf32, #tpu.memory_space<vmem_shared>>) dst(%dma_wait3A : memref<640xf32, #tpu.memory_space<hbm>>)
      tpu.yield
    }) : () -> ()
    return
  }
}

#map = affine_map<(d0, d1) -> (0, 0)>
#map1 = affine_map<(d0, d1) -> (0, 0, 0, 0)>
#map2 = affine_map<(d0, d1) -> (0, 0, 0)>
module attributes {stable_mosaic.version = 14 : i64} {
  func.func @_sc_scatter(%arg0: i32, %arg1: i32, %arg2: memref<10240x128xf32, #tpu.memory_space<hbm>>, %arg3: memref<32x80x1x128xi32, #tpu.memory_space<hbm>>, %arg4: memref<32x80x1x128xi32, #tpu.memory_space<hbm>>, %arg5: memref<10240x128xf32, #tpu.memory_space<hbm>>, %arg6: memref<2x10240x128xf32, #tpu.memory_space<hbm>>, %arg7: memref<10240x128xf32, #tpu.memory_space<vmem_shared>>, %arg8: memref<80x1x128xi32, #tpu.memory_space<vmem>>, %arg9: memref<2x1x128xi32, #tpu.memory_space<vmem>>, %arg10: memref<2x128x128xf32, #tpu.memory_space<vmem>>, %arg11: memref<!tpu.dma_semaphore, #tpu.memory_space<semaphore_mem>>, %arg12: memref<!tpu.dma_semaphore, #tpu.memory_space<semaphore_mem>>, %arg13: memref<!tpu.dma_semaphore, #tpu.memory_space<semaphore_mem>>, %arg14: memref<!tpu.dma_semaphore, #tpu.memory_space<semaphore_mem>>) attributes {dimension_semantics = [#tpu.dimension_semantics<core_parallel>, #tpu.dimension_semantics<subcore_parallel>], iteration_bounds = array<i64: 2, 16>, scalar_prefetch = 0 : i64, scratch_operands = 8 : i64, tpu.core_type = #tpu.core_type<sc_vector_subcore>, window_params = [{transform_indices = #map}, {transform_indices = #map1}, {transform_indices = #map1}, {transform_indices = #map}, {transform_indices = #map2}]} {
    %mul3A = arith.constant 2 : i32
    %mul3A_0 = arith.muli %arg1, %mul3A : i32
    %add3A = arith.addi %mul3A_0, %arg0 : i32
    %mul3A_1 = arith.constant 640 : i32
    %mul3A_2 = arith.muli %arg1, %mul3A_1 : i32
    "tpu.region"() ({
      %run_scoped3A = tpu.sem_alloc : memref<!tpu.dma_semaphore, #tpu.memory_space<semaphore_mem>>
      %dma_start3A_38 = arith.constant 0 : i32
      %dma_start3A_39 = tpu.memref_slice %arg7[%mul3A_2, %dma_start3A_38] : memref<10240x128xf32, #tpu.memory_space<vmem_shared>> -> memref<640x128xf32, #tpu.memory_space<vmem_shared>>
      %dma_start3A_40 = arith.constant 0 : i32
      %dma_start3A_41 = tpu.memref_slice %arg5[%mul3A_2, %dma_start3A_40] : memref<10240x128xf32, #tpu.memory_space<hbm>> -> memref<640x128xf32, #tpu.memory_space<hbm>>
      tpu.enqueue_dma source(%dma_start3A_41 : memref<640x128xf32, #tpu.memory_space<hbm>>) target(%dma_start3A_39 : memref<640x128xf32, #tpu.memory_space<vmem_shared>>) target_semaphore(%run_scoped3A : memref<!tpu.dma_semaphore, #tpu.memory_space<semaphore_mem>>)
      %dma_wait3A = arith.constant 0 : i32
      %dma_wait3A_42 = tpu.memref_slice %arg7[%mul3A_2, %dma_wait3A] : memref<10240x128xf32, #tpu.memory_space<vmem_shared>> -> memref<640x128xf32, #tpu.memory_space<vmem_shared>>
      %dma_wait3A_43 = arith.constant 0 : i32
      %dma_wait3A_44 = tpu.memref_slice %arg5[%mul3A_2, %dma_wait3A_43] : memref<10240x128xf32, #tpu.memory_space<hbm>> -> memref<640x128xf32, #tpu.memory_space<hbm>>
      tpu.wait_dma2 semaphore(%run_scoped3A : memref<!tpu.dma_semaphore, #tpu.memory_space<semaphore_mem>>) src(%dma_wait3A_44 : memref<640x128xf32, #tpu.memory_space<hbm>>) dst(%dma_wait3A_42 : memref<640x128xf32, #tpu.memory_space<vmem_shared>>)
      tpu.yield
    }) : () -> ()
    "tpu.region"() ({
      %run_scoped3A = tpu.sem_alloc : memref<!tpu.dma_semaphore, #tpu.memory_space<semaphore_mem>>
      %dma_start3A_38 = arith.constant 0 : i32
      %dma_start3A_39 = arith.constant 0 : i32
      %dma_start3A_40 = arith.constant 0 : i32
      %dma_start3A_41 = tpu.memref_slice %arg3[%add3A, %dma_start3A_38, %dma_start3A_39, %dma_start3A_40] : memref<32x80x1x128xi32, #tpu.memory_space<hbm>> -> memref<1x80x1x128xi32, #tpu.memory_space<hbm>>
      %dma_start3A_42 = tpu.memref_squeeze %dma_start3A_41 : memref<1x80x1x128xi32, #tpu.memory_space<hbm>> -> memref<80x1x128xi32, #tpu.memory_space<hbm>>
      %dma_start3A_43 = arith.constant 0 : i32
      %dma_start3A_44 = arith.constant 0 : i32
      %dma_start3A_45 = arith.constant 0 : i32
      %dma_start3A_46 = tpu.memref_slice %arg3[%add3A, %dma_start3A_43, %dma_start3A_44, %dma_start3A_45] : memref<32x80x1x128xi32, #tpu.memory_space<hbm>> -> memref<1x80x1x128xi32, #tpu.memory_space<hbm>>
      %dma_start3A_47 = tpu.memref_squeeze %dma_start3A_46 : memref<1x80x1x128xi32, #tpu.memory_space<hbm>> -> memref<80x1x128xi32, #tpu.memory_space<hbm>>
      tpu.enqueue_dma source(%dma_start3A_47 : memref<80x1x128xi32, #tpu.memory_space<hbm>>) target(%arg8 : memref<80x1x128xi32, #tpu.memory_space<vmem>>) target_semaphore(%run_scoped3A : memref<!tpu.dma_semaphore, #tpu.memory_space<semaphore_mem>>)
      %dma_wait3A = arith.constant 0 : i32
      %dma_wait3A_48 = arith.constant 0 : i32
      %dma_wait3A_49 = arith.constant 0 : i32
      %dma_wait3A_50 = tpu.memref_slice %arg3[%add3A, %dma_wait3A, %dma_wait3A_48, %dma_wait3A_49] : memref<32x80x1x128xi32, #tpu.memory_space<hbm>> -> memref<1x80x1x128xi32, #tpu.memory_space<hbm>>
      %dma_wait3A_51 = tpu.memref_squeeze %dma_wait3A_50 : memref<1x80x1x128xi32, #tpu.memory_space<hbm>> -> memref<80x1x128xi32, #tpu.memory_space<hbm>>
      %dma_wait3A_52 = arith.constant 0 : i32
      %dma_wait3A_53 = arith.constant 0 : i32
      %dma_wait3A_54 = arith.constant 0 : i32
      %dma_wait3A_55 = tpu.memref_slice %arg3[%add3A, %dma_wait3A_52, %dma_wait3A_53, %dma_wait3A_54] : memref<32x80x1x128xi32, #tpu.memory_space<hbm>> -> memref<1x80x1x128xi32, #tpu.memory_space<hbm>>
      %dma_wait3A_56 = tpu.memref_squeeze %dma_wait3A_55 : memref<1x80x1x128xi32, #tpu.memory_space<hbm>> -> memref<80x1x128xi32, #tpu.memory_space<hbm>>
      tpu.wait_dma2 semaphore(%run_scoped3A : memref<!tpu.dma_semaphore, #tpu.memory_space<semaphore_mem>>) src(%dma_wait3A_56 : memref<80x1x128xi32, #tpu.memory_space<hbm>>) dst(%arg8 : memref<80x1x128xi32, #tpu.memory_space<vmem>>)
      tpu.yield
    }) : () -> ()
    %barrier3A = arith.constant 0 : index
    tpu.barrier barrier_id(%barrier3A)
    %dma_start3A = arith.constant 0 : i32
    %dma_start3A_3 = arith.constant 0 : i32
    %dma_start3A_4 = arith.constant 0 : i32
    %dma_start3A_5 = arith.constant 0 : i32
    %dma_start3A_6 = tpu.memref_slice %arg9[%dma_start3A_3, %dma_start3A_4, %dma_start3A_5] : memref<2x1x128xi32, #tpu.memory_space<vmem>> -> memref<1x1x128xi32, #tpu.memory_space<vmem>>
    %dma_start3A_7 = tpu.memref_squeeze %dma_start3A_6 : memref<1x1x128xi32, #tpu.memory_space<vmem>> -> memref<1x128xi32, #tpu.memory_space<vmem>>
    %dma_start3A_8 = arith.constant 0 : i32
    %dma_start3A_9 = arith.constant 0 : i32
    %dma_start3A_10 = tpu.memref_slice %arg4[%add3A, %dma_start3A, %dma_start3A_8, %dma_start3A_9] : memref<32x80x1x128xi32, #tpu.memory_space<hbm>> -> memref<1x1x1x128xi32, #tpu.memory_space<hbm>>
    %dma_start3A_11 = tpu.memref_squeeze %dma_start3A_10 : memref<1x1x1x128xi32, #tpu.memory_space<hbm>> -> memref<1x128xi32, #tpu.memory_space<hbm>>
    %dma_start3A_12 = arith.constant 0 : i32
    %dma_start3A_13 = arith.constant 0 : i32
    %dma_start3A_14 = tpu.memref_slice %arg9[%dma_start3A_3, %dma_start3A_12, %dma_start3A_13] : memref<2x1x128xi32, #tpu.memory_space<vmem>> -> memref<1x1x128xi32, #tpu.memory_space<vmem>>
    %dma_start3A_15 = tpu.memref_squeeze %dma_start3A_14 : memref<1x1x128xi32, #tpu.memory_space<vmem>> -> memref<1x128xi32, #tpu.memory_space<vmem>>
    %dma_start3A_16 = arith.constant 0 : i32
    %dma_start3A_17 = arith.constant 0 : i32
    %dma_start3A_18 = tpu.memref_slice %arg4[%add3A, %dma_start3A, %dma_start3A_16, %dma_start3A_17] : memref<32x80x1x128xi32, #tpu.memory_space<hbm>> -> memref<1x1x1x128xi32, #tpu.memory_space<hbm>>
    %dma_start3A_19 = tpu.memref_squeeze %dma_start3A_18 : memref<1x1x1x128xi32, #tpu.memory_space<hbm>> -> memref<1x128xi32, #tpu.memory_space<hbm>>
    tpu.enqueue_dma source(%dma_start3A_19 : memref<1x128xi32, #tpu.memory_space<hbm>>) target(%dma_start3A_15 : memref<1x128xi32, #tpu.memory_space<vmem>>) target_semaphore(%arg13 : memref<!tpu.dma_semaphore, #tpu.memory_space<semaphore_mem>>)
    %dma_start3A_20 = arith.constant 0 : i32
    %dma_start3A_21 = arith.constant 0 : i32
    %dma_start3A_22 = arith.constant 0 : i32
    %dma_start3A_23 = arith.constant 0 : i32
    %dma_start3A_24 = arith.constant 0 : i32
    %dma_start3A_25 = tpu.memref_slice %arg10[%dma_start3A_22, %dma_start3A_23, %dma_start3A_24] : memref<2x128x128xf32, #tpu.memory_space<vmem>> -> memref<1x128x128xf32, #tpu.memory_space<vmem>>
    %dma_start3A_26 = tpu.memref_squeeze %dma_start3A_25 : memref<1x128x128xf32, #tpu.memory_space<vmem>> -> memref<128x128xf32, #tpu.memory_space<vmem>>
    %dma_start3A_27 = arith.constant 0 : i32
    %dma_start3A_28 = tpu.memref_slice %arg8[%dma_start3A_20, %dma_start3A_21, %dma_start3A_27] : memref<80x1x128xi32, #tpu.memory_space<vmem>> -> memref<1x1x128xi32, #tpu.memory_space<vmem>>
    %dma_start3A_29 = tpu.memref_squeeze %dma_start3A_28 : memref<1x1x128xi32, #tpu.memory_space<vmem>> -> memref<128xi32, #tpu.memory_space<vmem>>
    %dma_start3A_30 = arith.constant 0 : i32
    %dma_start3A_31 = arith.constant 0 : i32
    %dma_start3A_32 = tpu.memref_slice %arg2[%dma_start3A_30, %dma_start3A_31] : memref<10240x128xf32, #tpu.memory_space<hbm>> -> memref<10240x128xf32, #tpu.memory_space<hbm>>
    tpu.enqueue_indirect_dma source(%dma_start3A_32 : memref<10240x128xf32, #tpu.memory_space<hbm>>) target(%dma_start3A_26 : memref<128x128xf32, #tpu.memory_space<vmem>>) offsets(%dma_start3A_29 : memref<128xi32, #tpu.memory_space<vmem>>) semaphore(%arg11 : memref<!tpu.dma_semaphore, #tpu.memory_space<semaphore_mem>>)
    %scan3A = arith.constant 0 : i32
    %scan3A_33 = arith.constant 40 : i32
    %scan3A_34 = arith.addi %scan3A, %scan3A_33 : i32
    %scan3A_35 = arith.constant 1 : i32
    scf.for %scan3A_38 = %scan3A to %scan3A_34 step %scan3A_35  : i32 {
      %mul3A_39 = arith.constant 2 : i32
      %mul3A_40 = arith.muli %scan3A_38, %mul3A_39 : i32
      %add3A_41 = arith.constant 0 : i32
      %add3A_42 = arith.addi %add3A_41, %mul3A_40 : i32
      %add3A_43 = arith.constant 0 : i32
      %add3A_44 = arith.addi %add3A_42, %add3A_43 : i32
      %add3A_45 = arith.constant 1 : i32
      %add3A_46 = arith.addi %add3A_44, %add3A_45 : i32
      %lt3A = arith.constant 80 : i32
      %lt3A_47 = arith.cmpi slt, %add3A_46, %lt3A : i32
      %convert_element_type3A = arith.extui %lt3A_47 : i1 to i32
      %cond3A = arith.constant 0 : i32
      %cond3A_48 = arith.cmpi ne, %convert_element_type3A, %cond3A : i32
      scf.if %cond3A_48 {
        %add3A_120 = arith.constant 1 : i32
        %add3A_121 = arith.addi %add3A_44, %add3A_120 : i32
        %dma_start3A_122 = arith.constant 1 : i32
        %dma_start3A_123 = arith.constant 0 : i32
        %dma_start3A_124 = arith.constant 0 : i32
        %dma_start3A_125 = tpu.memref_slice %arg9[%dma_start3A_122, %dma_start3A_123, %dma_start3A_124] : memref<2x1x128xi32, #tpu.memory_space<vmem>> -> memref<1x1x128xi32, #tpu.memory_space<vmem>>
        %dma_start3A_126 = tpu.memref_squeeze %dma_start3A_125 : memref<1x1x128xi32, #tpu.memory_space<vmem>> -> memref<1x128xi32, #tpu.memory_space<vmem>>
        %dma_start3A_127 = arith.constant 0 : i32
        %dma_start3A_128 = arith.constant 0 : i32
        %dma_start3A_129 = tpu.memref_slice %arg4[%add3A, %add3A_121, %dma_start3A_127, %dma_start3A_128] : memref<32x80x1x128xi32, #tpu.memory_space<hbm>> -> memref<1x1x1x128xi32, #tpu.memory_space<hbm>>
        %dma_start3A_130 = tpu.memref_squeeze %dma_start3A_129 : memref<1x1x1x128xi32, #tpu.memory_space<hbm>> -> memref<1x128xi32, #tpu.memory_space<hbm>>
        %dma_start3A_131 = arith.constant 0 : i32
        %dma_start3A_132 = arith.constant 0 : i32
        %dma_start3A_133 = tpu.memref_slice %arg9[%dma_start3A_122, %dma_start3A_131, %dma_start3A_132] : memref<2x1x128xi32, #tpu.memory_space<vmem>> -> memref<1x1x128xi32, #tpu.memory_space<vmem>>
        %dma_start3A_134 = tpu.memref_squeeze %dma_start3A_133 : memref<1x1x128xi32, #tpu.memory_space<vmem>> -> memref<1x128xi32, #tpu.memory_space<vmem>>
        %dma_start3A_135 = arith.constant 0 : i32
        %dma_start3A_136 = arith.constant 0 : i32
        %dma_start3A_137 = tpu.memref_slice %arg4[%add3A, %add3A_121, %dma_start3A_135, %dma_start3A_136] : memref<32x80x1x128xi32, #tpu.memory_space<hbm>> -> memref<1x1x1x128xi32, #tpu.memory_space<hbm>>
        %dma_start3A_138 = tpu.memref_squeeze %dma_start3A_137 : memref<1x1x1x128xi32, #tpu.memory_space<hbm>> -> memref<1x128xi32, #tpu.memory_space<hbm>>
        tpu.enqueue_dma source(%dma_start3A_138 : memref<1x128xi32, #tpu.memory_space<hbm>>) target(%dma_start3A_134 : memref<1x128xi32, #tpu.memory_space<vmem>>) target_semaphore(%arg14 : memref<!tpu.dma_semaphore, #tpu.memory_space<semaphore_mem>>)
        %add3A_139 = arith.constant 1 : i32
        %add3A_140 = arith.addi %add3A_44, %add3A_139 : i32
        %dma_start3A_141 = arith.constant 0 : i32
        %dma_start3A_142 = arith.constant 1 : i32
        %dma_start3A_143 = arith.constant 0 : i32
        %dma_start3A_144 = arith.constant 0 : i32
        %dma_start3A_145 = tpu.memref_slice %arg10[%dma_start3A_142, %dma_start3A_143, %dma_start3A_144] : memref<2x128x128xf32, #tpu.memory_space<vmem>> -> memref<1x128x128xf32, #tpu.memory_space<vmem>>
        %dma_start3A_146 = tpu.memref_squeeze %dma_start3A_145 : memref<1x128x128xf32, #tpu.memory_space<vmem>> -> memref<128x128xf32, #tpu.memory_space<vmem>>
        %dma_start3A_147 = arith.constant 0 : i32
        %dma_start3A_148 = tpu.memref_slice %arg8[%add3A_140, %dma_start3A_141, %dma_start3A_147] : memref<80x1x128xi32, #tpu.memory_space<vmem>> -> memref<1x1x128xi32, #tpu.memory_space<vmem>>
        %dma_start3A_149 = tpu.memref_squeeze %dma_start3A_148 : memref<1x1x128xi32, #tpu.memory_space<vmem>> -> memref<128xi32, #tpu.memory_space<vmem>>
        %dma_start3A_150 = arith.constant 0 : i32
        %dma_start3A_151 = arith.constant 0 : i32
        %dma_start3A_152 = tpu.memref_slice %arg2[%dma_start3A_150, %dma_start3A_151] : memref<10240x128xf32, #tpu.memory_space<hbm>> -> memref<10240x128xf32, #tpu.memory_space<hbm>>
        tpu.enqueue_indirect_dma source(%dma_start3A_152 : memref<10240x128xf32, #tpu.memory_space<hbm>>) target(%dma_start3A_146 : memref<128x128xf32, #tpu.memory_space<vmem>>) offsets(%dma_start3A_149 : memref<128xi32, #tpu.memory_space<vmem>>) semaphore(%arg12 : memref<!tpu.dma_semaphore, #tpu.memory_space<semaphore_mem>>)
      } else {
      }
      %dma_wait3A = arith.constant 0 : i32
      %dma_wait3A_49 = arith.constant 0 : i32
      %dma_wait3A_50 = arith.constant 0 : i32
      %dma_wait3A_51 = arith.constant 0 : i32
      %dma_wait3A_52 = tpu.memref_slice %arg10[%dma_wait3A_49, %dma_wait3A_50, %dma_wait3A_51] : memref<2x128x128xf32, #tpu.memory_space<vmem>> -> memref<1x128x128xf32, #tpu.memory_space<vmem>>
      %dma_wait3A_53 = tpu.memref_squeeze %dma_wait3A_52 : memref<1x128x128xf32, #tpu.memory_space<vmem>> -> memref<128x128xf32, #tpu.memory_space<vmem>>
      %dma_wait3A_54 = arith.constant 0 : i32
      %dma_wait3A_55 = tpu.memref_slice %arg8[%add3A_44, %dma_wait3A, %dma_wait3A_54] : memref<80x1x128xi32, #tpu.memory_space<vmem>> -> memref<1x1x128xi32, #tpu.memory_space<vmem>>
      %dma_wait3A_56 = tpu.memref_squeeze %dma_wait3A_55 : memref<1x1x128xi32, #tpu.memory_space<vmem>> -> memref<128xi32, #tpu.memory_space<vmem>>
      %dma_wait3A_57 = arith.constant 0 : i32
      %dma_wait3A_58 = arith.constant 0 : i32
      %dma_wait3A_59 = tpu.memref_slice %arg2[%dma_wait3A_57, %dma_wait3A_58] : memref<10240x128xf32, #tpu.memory_space<hbm>> -> memref<10240x128xf32, #tpu.memory_space<hbm>>
      tpu.wait_indirect_dma semaphore(%arg11 : memref<!tpu.dma_semaphore, #tpu.memory_space<semaphore_mem>>) src(%dma_wait3A_59 : memref<10240x128xf32, #tpu.memory_space<hbm>>) dst(%dma_wait3A_53 : memref<128x128xf32, #tpu.memory_space<vmem>>)
      %dma_wait3A_60 = arith.constant 0 : i32
      %dma_wait3A_61 = arith.constant 0 : i32
      %dma_wait3A_62 = arith.constant 0 : i32
      %dma_wait3A_63 = tpu.memref_slice %arg9[%dma_wait3A_60, %dma_wait3A_61, %dma_wait3A_62] : memref<2x1x128xi32, #tpu.memory_space<vmem>> -> memref<1x1x128xi32, #tpu.memory_space<vmem>>
      %dma_wait3A_64 = tpu.memref_squeeze %dma_wait3A_63 : memref<1x1x128xi32, #tpu.memory_space<vmem>> -> memref<1x128xi32, #tpu.memory_space<vmem>>
      %dma_wait3A_65 = arith.constant 0 : i32
      %dma_wait3A_66 = arith.constant 0 : i32
      %dma_wait3A_67 = tpu.memref_slice %arg4[%add3A, %add3A_44, %dma_wait3A_65, %dma_wait3A_66] : memref<32x80x1x128xi32, #tpu.memory_space<hbm>> -> memref<1x1x1x128xi32, #tpu.memory_space<hbm>>
      %dma_wait3A_68 = tpu.memref_squeeze %dma_wait3A_67 : memref<1x1x1x128xi32, #tpu.memory_space<hbm>> -> memref<1x128xi32, #tpu.memory_space<hbm>>
      %dma_wait3A_69 = arith.constant 0 : i32
      %dma_wait3A_70 = arith.constant 0 : i32
      %dma_wait3A_71 = tpu.memref_slice %arg9[%dma_wait3A_60, %dma_wait3A_69, %dma_wait3A_70] : memref<2x1x128xi32, #tpu.memory_space<vmem>> -> memref<1x1x128xi32, #tpu.memory_space<vmem>>
      %dma_wait3A_72 = tpu.memref_squeeze %dma_wait3A_71 : memref<1x1x128xi32, #tpu.memory_space<vmem>> -> memref<1x128xi32, #tpu.memory_space<vmem>>
      %dma_wait3A_73 = arith.constant 0 : i32
      %dma_wait3A_74 = arith.constant 0 : i32
      %dma_wait3A_75 = tpu.memref_slice %arg4[%add3A, %add3A_44, %dma_wait3A_73, %dma_wait3A_74] : memref<32x80x1x128xi32, #tpu.memory_space<hbm>> -> memref<1x1x1x128xi32, #tpu.memory_space<hbm>>
      %dma_wait3A_76 = tpu.memref_squeeze %dma_wait3A_75 : memref<1x1x1x128xi32, #tpu.memory_space<hbm>> -> memref<1x128xi32, #tpu.memory_space<hbm>>
      tpu.wait_dma2 semaphore(%arg13 : memref<!tpu.dma_semaphore, #tpu.memory_space<semaphore_mem>>) src(%dma_wait3A_76 : memref<1x128xi32, #tpu.memory_space<hbm>>) dst(%dma_wait3A_72 : memref<1x128xi32, #tpu.memory_space<vmem>>)
      %run_scoped3A = arith.constant 0 : i32
      %run_scoped3A_77 = arith.constant 0 : i32
      %run_scoped3A_78 = arith.constant 0 : i32
      "tpu.region"() ({
        %run_scoped3A_120 = tpu.sem_alloc : memref<!tpu.dma_semaphore, #tpu.memory_space<semaphore_mem>>
        %dma_start3A_121 = arith.constant 0 : i32
        %dma_start3A_122 = arith.constant 0 : i32
        %dma_start3A_123 = tpu.memref_slice %arg10[%run_scoped3A, %dma_start3A_121, %dma_start3A_122] : memref<2x128x128xf32, #tpu.memory_space<vmem>> -> memref<1x128x128xf32, #tpu.memory_space<vmem>>
        %dma_start3A_124 = tpu.memref_squeeze %dma_start3A_123 : memref<1x128x128xf32, #tpu.memory_space<vmem>> -> memref<128x128xf32, #tpu.memory_space<vmem>>
        %dma_start3A_125 = arith.constant 0 : i32
        %dma_start3A_126 = tpu.memref_slice %arg9[%run_scoped3A_77, %run_scoped3A_78, %dma_start3A_125] : memref<2x1x128xi32, #tpu.memory_space<vmem>> -> memref<1x1x128xi32, #tpu.memory_space<vmem>>
        %dma_start3A_127 = tpu.memref_squeeze %dma_start3A_126 : memref<1x1x128xi32, #tpu.memory_space<vmem>> -> memref<128xi32, #tpu.memory_space<vmem>>
        %dma_start3A_128 = arith.constant 0 : i32
        %dma_start3A_129 = arith.constant 0 : i32
        %dma_start3A_130 = tpu.memref_slice %arg7[%dma_start3A_128, %dma_start3A_129] : memref<10240x128xf32, #tpu.memory_space<vmem_shared>> -> memref<10240x128xf32, #tpu.memory_space<vmem_shared>>
        tpu.enqueue_indirect_dma source(%dma_start3A_124 : memref<128x128xf32, #tpu.memory_space<vmem>>) target(%dma_start3A_130 : memref<10240x128xf32, #tpu.memory_space<vmem_shared>>) offsets(%dma_start3A_127 : memref<128xi32, #tpu.memory_space<vmem>>) semaphore(%run_scoped3A_120 : memref<!tpu.dma_semaphore, #tpu.memory_space<semaphore_mem>>) {add = true}
        %dma_wait3A_131 = arith.constant 0 : i32
        %dma_wait3A_132 = arith.constant 0 : i32
        %dma_wait3A_133 = tpu.memref_slice %arg10[%run_scoped3A, %dma_wait3A_131, %dma_wait3A_132] : memref<2x128x128xf32, #tpu.memory_space<vmem>> -> memref<1x128x128xf32, #tpu.memory_space<vmem>>
        %dma_wait3A_134 = tpu.memref_squeeze %dma_wait3A_133 : memref<1x128x128xf32, #tpu.memory_space<vmem>> -> memref<128x128xf32, #tpu.memory_space<vmem>>
        %dma_wait3A_135 = arith.constant 0 : i32
        %dma_wait3A_136 = tpu.memref_slice %arg9[%run_scoped3A_77, %run_scoped3A_78, %dma_wait3A_135] : memref<2x1x128xi32, #tpu.memory_space<vmem>> -> memref<1x1x128xi32, #tpu.memory_space<vmem>>
        %dma_wait3A_137 = tpu.memref_squeeze %dma_wait3A_136 : memref<1x1x128xi32, #tpu.memory_space<vmem>> -> memref<128xi32, #tpu.memory_space<vmem>>
        %dma_wait3A_138 = arith.constant 0 : i32
        %dma_wait3A_139 = arith.constant 0 : i32
        %dma_wait3A_140 = tpu.memref_slice %arg7[%dma_wait3A_138, %dma_wait3A_139] : memref<10240x128xf32, #tpu.memory_space<vmem_shared>> -> memref<10240x128xf32, #tpu.memory_space<vmem_shared>>
        tpu.wait_indirect_dma semaphore(%run_scoped3A_120 : memref<!tpu.dma_semaphore, #tpu.memory_space<semaphore_mem>>) src(%dma_wait3A_134 : memref<128x128xf32, #tpu.memory_space<vmem>>) dst(%dma_wait3A_140 : memref<10240x128xf32, #tpu.memory_space<vmem_shared>>)
        tpu.yield
      }) : () -> ()
      %add3A_79 = arith.constant 1 : i32
      %add3A_80 = arith.addi %add3A_42, %add3A_79 : i32
      %add3A_81 = arith.constant 1 : i32
      %add3A_82 = arith.addi %add3A_80, %add3A_81 : i32
      %lt3A_83 = arith.constant 80 : i32
      %lt3A_84 = arith.cmpi slt, %add3A_82, %lt3A_83 : i32
      %convert_element_type3A_85 = arith.extui %lt3A_84 : i1 to i32
      %cond3A_86 = arith.constant 0 : i32
      %cond3A_87 = arith.cmpi ne, %convert_element_type3A_85, %cond3A_86 : i32
      scf.if %cond3A_87 {
        %add3A_120 = arith.constant 1 : i32
        %add3A_121 = arith.addi %add3A_80, %add3A_120 : i32
        %dma_start3A_122 = arith.constant 0 : i32
        %dma_start3A_123 = arith.constant 0 : i32
        %dma_start3A_124 = arith.constant 0 : i32
        %dma_start3A_125 = tpu.memref_slice %arg9[%dma_start3A_122, %dma_start3A_123, %dma_start3A_124] : memref<2x1x128xi32, #tpu.memory_space<vmem>> -> memref<1x1x128xi32, #tpu.memory_space<vmem>>
        %dma_start3A_126 = tpu.memref_squeeze %dma_start3A_125 : memref<1x1x128xi32, #tpu.memory_space<vmem>> -> memref<1x128xi32, #tpu.memory_space<vmem>>
        %dma_start3A_127 = arith.constant 0 : i32
        %dma_start3A_128 = arith.constant 0 : i32
        %dma_start3A_129 = tpu.memref_slice %arg4[%add3A, %add3A_121, %dma_start3A_127, %dma_start3A_128] : memref<32x80x1x128xi32, #tpu.memory_space<hbm>> -> memref<1x1x1x128xi32, #tpu.memory_space<hbm>>
        %dma_start3A_130 = tpu.memref_squeeze %dma_start3A_129 : memref<1x1x1x128xi32, #tpu.memory_space<hbm>> -> memref<1x128xi32, #tpu.memory_space<hbm>>
        %dma_start3A_131 = arith.constant 0 : i32
        %dma_start3A_132 = arith.constant 0 : i32
        %dma_start3A_133 = tpu.memref_slice %arg9[%dma_start3A_122, %dma_start3A_131, %dma_start3A_132] : memref<2x1x128xi32, #tpu.memory_space<vmem>> -> memref<1x1x128xi32, #tpu.memory_space<vmem>>
        %dma_start3A_134 = tpu.memref_squeeze %dma_start3A_133 : memref<1x1x128xi32, #tpu.memory_space<vmem>> -> memref<1x128xi32, #tpu.memory_space<vmem>>
        %dma_start3A_135 = arith.constant 0 : i32
        %dma_start3A_136 = arith.constant 0 : i32
        %dma_start3A_137 = tpu.memref_slice %arg4[%add3A, %add3A_121, %dma_start3A_135, %dma_start3A_136] : memref<32x80x1x128xi32, #tpu.memory_space<hbm>> -> memref<1x1x1x128xi32, #tpu.memory_space<hbm>>
        %dma_start3A_138 = tpu.memref_squeeze %dma_start3A_137 : memref<1x1x1x128xi32, #tpu.memory_space<hbm>> -> memref<1x128xi32, #tpu.memory_space<hbm>>
        tpu.enqueue_dma source(%dma_start3A_138 : memref<1x128xi32, #tpu.memory_space<hbm>>) target(%dma_start3A_134 : memref<1x128xi32, #tpu.memory_space<vmem>>) target_semaphore(%arg13 : memref<!tpu.dma_semaphore, #tpu.memory_space<semaphore_mem>>)
        %add3A_139 = arith.constant 1 : i32
        %add3A_140 = arith.addi %add3A_80, %add3A_139 : i32
        %dma_start3A_141 = arith.constant 0 : i32
        %dma_start3A_142 = arith.constant 0 : i32
        %dma_start3A_143 = arith.constant 0 : i32
        %dma_start3A_144 = arith.constant 0 : i32
        %dma_start3A_145 = tpu.memref_slice %arg10[%dma_start3A_142, %dma_start3A_143, %dma_start3A_144] : memref<2x128x128xf32, #tpu.memory_space<vmem>> -> memref<1x128x128xf32, #tpu.memory_space<vmem>>
        %dma_start3A_146 = tpu.memref_squeeze %dma_start3A_145 : memref<1x128x128xf32, #tpu.memory_space<vmem>> -> memref<128x128xf32, #tpu.memory_space<vmem>>
        %dma_start3A_147 = arith.constant 0 : i32
        %dma_start3A_148 = tpu.memref_slice %arg8[%add3A_140, %dma_start3A_141, %dma_start3A_147] : memref<80x1x128xi32, #tpu.memory_space<vmem>> -> memref<1x1x128xi32, #tpu.memory_space<vmem>>
        %dma_start3A_149 = tpu.memref_squeeze %dma_start3A_148 : memref<1x1x128xi32, #tpu.memory_space<vmem>> -> memref<128xi32, #tpu.memory_space<vmem>>
        %dma_start3A_150 = arith.constant 0 : i32
        %dma_start3A_151 = arith.constant 0 : i32
        %dma_start3A_152 = tpu.memref_slice %arg2[%dma_start3A_150, %dma_start3A_151] : memref<10240x128xf32, #tpu.memory_space<hbm>> -> memref<10240x128xf32, #tpu.memory_space<hbm>>
        tpu.enqueue_indirect_dma source(%dma_start3A_152 : memref<10240x128xf32, #tpu.memory_space<hbm>>) target(%dma_start3A_146 : memref<128x128xf32, #tpu.memory_space<vmem>>) offsets(%dma_start3A_149 : memref<128xi32, #tpu.memory_space<vmem>>) semaphore(%arg11 : memref<!tpu.dma_semaphore, #tpu.memory_space<semaphore_mem>>)
      } else {
      }
      %dma_wait3A_88 = arith.constant 0 : i32
      %dma_wait3A_89 = arith.constant 1 : i32
      %dma_wait3A_90 = arith.constant 0 : i32
      %dma_wait3A_91 = arith.constant 0 : i32
      %dma_wait3A_92 = tpu.memref_slice %arg10[%dma_wait3A_89, %dma_wait3A_90, %dma_wait3A_91] : memref<2x128x128xf32, #tpu.memory_space<vmem>> -> memref<1x128x128xf32, #tpu.memory_space<vmem>>
      %dma_wait3A_93 = tpu.memref_squeeze %dma_wait3A_92 : memref<1x128x128xf32, #tpu.memory_space<vmem>> -> memref<128x128xf32, #tpu.memory_space<vmem>>
      %dma_wait3A_94 = arith.constant 0 : i32
      %dma_wait3A_95 = tpu.memref_slice %arg8[%add3A_80, %dma_wait3A_88, %dma_wait3A_94] : memref<80x1x128xi32, #tpu.memory_space<vmem>> -> memref<1x1x128xi32, #tpu.memory_space<vmem>>
      %dma_wait3A_96 = tpu.memref_squeeze %dma_wait3A_95 : memref<1x1x128xi32, #tpu.memory_space<vmem>> -> memref<128xi32, #tpu.memory_space<vmem>>
      %dma_wait3A_97 = arith.constant 0 : i32
      %dma_wait3A_98 = arith.constant 0 : i32
      %dma_wait3A_99 = tpu.memref_slice %arg2[%dma_wait3A_97, %dma_wait3A_98] : memref<10240x128xf32, #tpu.memory_space<hbm>> -> memref<10240x128xf32, #tpu.memory_space<hbm>>
      tpu.wait_indirect_dma semaphore(%arg12 : memref<!tpu.dma_semaphore, #tpu.memory_space<semaphore_mem>>) src(%dma_wait3A_99 : memref<10240x128xf32, #tpu.memory_space<hbm>>) dst(%dma_wait3A_93 : memref<128x128xf32, #tpu.memory_space<vmem>>)
      %dma_wait3A_100 = arith.constant 1 : i32
      %dma_wait3A_101 = arith.constant 0 : i32
      %dma_wait3A_102 = arith.constant 0 : i32
      %dma_wait3A_103 = tpu.memref_slice %arg9[%dma_wait3A_100, %dma_wait3A_101, %dma_wait3A_102] : memref<2x1x128xi32, #tpu.memory_space<vmem>> -> memref<1x1x128xi32, #tpu.memory_space<vmem>>
      %dma_wait3A_104 = tpu.memref_squeeze %dma_wait3A_103 : memref<1x1x128xi32, #tpu.memory_space<vmem>> -> memref<1x128xi32, #tpu.memory_space<vmem>>
      %dma_wait3A_105 = arith.constant 0 : i32
      %dma_wait3A_106 = arith.constant 0 : i32
      %dma_wait3A_107 = tpu.memref_slice %arg4[%add3A, %add3A_80, %dma_wait3A_105, %dma_wait3A_106] : memref<32x80x1x128xi32, #tpu.memory_space<hbm>> -> memref<1x1x1x128xi32, #tpu.memory_space<hbm>>
      %dma_wait3A_108 = tpu.memref_squeeze %dma_wait3A_107 : memref<1x1x1x128xi32, #tpu.memory_space<hbm>> -> memref<1x128xi32, #tpu.memory_space<hbm>>
      %dma_wait3A_109 = arith.constant 0 : i32
      %dma_wait3A_110 = arith.constant 0 : i32
      %dma_wait3A_111 = tpu.memref_slice %arg9[%dma_wait3A_100, %dma_wait3A_109, %dma_wait3A_110] : memref<2x1x128xi32, #tpu.memory_space<vmem>> -> memref<1x1x128xi32, #tpu.memory_space<vmem>>
      %dma_wait3A_112 = tpu.memref_squeeze %dma_wait3A_111 : memref<1x1x128xi32, #tpu.memory_space<vmem>> -> memref<1x128xi32, #tpu.memory_space<vmem>>
      %dma_wait3A_113 = arith.constant 0 : i32
      %dma_wait3A_114 = arith.constant 0 : i32
      %dma_wait3A_115 = tpu.memref_slice %arg4[%add3A, %add3A_80, %dma_wait3A_113, %dma_wait3A_114] : memref<32x80x1x128xi32, #tpu.memory_space<hbm>> -> memref<1x1x1x128xi32, #tpu.memory_space<hbm>>
      %dma_wait3A_116 = tpu.memref_squeeze %dma_wait3A_115 : memref<1x1x1x128xi32, #tpu.memory_space<hbm>> -> memref<1x128xi32, #tpu.memory_space<hbm>>
      tpu.wait_dma2 semaphore(%arg14 : memref<!tpu.dma_semaphore, #tpu.memory_space<semaphore_mem>>) src(%dma_wait3A_116 : memref<1x128xi32, #tpu.memory_space<hbm>>) dst(%dma_wait3A_112 : memref<1x128xi32, #tpu.memory_space<vmem>>)
      %run_scoped3A_117 = arith.constant 1 : i32
      %run_scoped3A_118 = arith.constant 1 : i32
      %run_scoped3A_119 = arith.constant 0 : i32
      "tpu.region"() ({
        %run_scoped3A_120 = tpu.sem_alloc : memref<!tpu.dma_semaphore, #tpu.memory_space<semaphore_mem>>
        %dma_start3A_121 = arith.constant 0 : i32
        %dma_start3A_122 = arith.constant 0 : i32
        %dma_start3A_123 = tpu.memref_slice %arg10[%run_scoped3A_117, %dma_start3A_121, %dma_start3A_122] : memref<2x128x128xf32, #tpu.memory_space<vmem>> -> memref<1x128x128xf32, #tpu.memory_space<vmem>>
        %dma_start3A_124 = tpu.memref_squeeze %dma_start3A_123 : memref<1x128x128xf32, #tpu.memory_space<vmem>> -> memref<128x128xf32, #tpu.memory_space<vmem>>
        %dma_start3A_125 = arith.constant 0 : i32
        %dma_start3A_126 = tpu.memref_slice %arg9[%run_scoped3A_118, %run_scoped3A_119, %dma_start3A_125] : memref<2x1x128xi32, #tpu.memory_space<vmem>> -> memref<1x1x128xi32, #tpu.memory_space<vmem>>
        %dma_start3A_127 = tpu.memref_squeeze %dma_start3A_126 : memref<1x1x128xi32, #tpu.memory_space<vmem>> -> memref<128xi32, #tpu.memory_space<vmem>>
        %dma_start3A_128 = arith.constant 0 : i32
        %dma_start3A_129 = arith.constant 0 : i32
        %dma_start3A_130 = tpu.memref_slice %arg7[%dma_start3A_128, %dma_start3A_129] : memref<10240x128xf32, #tpu.memory_space<vmem_shared>> -> memref<10240x128xf32, #tpu.memory_space<vmem_shared>>
        tpu.enqueue_indirect_dma source(%dma_start3A_124 : memref<128x128xf32, #tpu.memory_space<vmem>>) target(%dma_start3A_130 : memref<10240x128xf32, #tpu.memory_space<vmem_shared>>) offsets(%dma_start3A_127 : memref<128xi32, #tpu.memory_space<vmem>>) semaphore(%run_scoped3A_120 : memref<!tpu.dma_semaphore, #tpu.memory_space<semaphore_mem>>) {add = true}
        %dma_wait3A_131 = arith.constant 0 : i32
        %dma_wait3A_132 = arith.constant 0 : i32
        %dma_wait3A_133 = tpu.memref_slice %arg10[%run_scoped3A_117, %dma_wait3A_131, %dma_wait3A_132] : memref<2x128x128xf32, #tpu.memory_space<vmem>> -> memref<1x128x128xf32, #tpu.memory_space<vmem>>
        %dma_wait3A_134 = tpu.memref_squeeze %dma_wait3A_133 : memref<1x128x128xf32, #tpu.memory_space<vmem>> -> memref<128x128xf32, #tpu.memory_space<vmem>>
        %dma_wait3A_135 = arith.constant 0 : i32
        %dma_wait3A_136 = tpu.memref_slice %arg9[%run_scoped3A_118, %run_scoped3A_119, %dma_wait3A_135] : memref<2x1x128xi32, #tpu.memory_space<vmem>> -> memref<1x1x128xi32, #tpu.memory_space<vmem>>
        %dma_wait3A_137 = tpu.memref_squeeze %dma_wait3A_136 : memref<1x1x128xi32, #tpu.memory_space<vmem>> -> memref<128xi32, #tpu.memory_space<vmem>>
        %dma_wait3A_138 = arith.constant 0 : i32
        %dma_wait3A_139 = arith.constant 0 : i32
        %dma_wait3A_140 = tpu.memref_slice %arg7[%dma_wait3A_138, %dma_wait3A_139] : memref<10240x128xf32, #tpu.memory_space<vmem_shared>> -> memref<10240x128xf32, #tpu.memory_space<vmem_shared>>
        tpu.wait_indirect_dma semaphore(%run_scoped3A_120 : memref<!tpu.dma_semaphore, #tpu.memory_space<semaphore_mem>>) src(%dma_wait3A_134 : memref<128x128xf32, #tpu.memory_space<vmem>>) dst(%dma_wait3A_140 : memref<10240x128xf32, #tpu.memory_space<vmem_shared>>)
        tpu.yield
      }) : () -> ()
    }
    %scan3A_36 = arith.constant 40 : i32
    %barrier3A_37 = arith.constant 0 : index
    tpu.barrier barrier_id(%barrier3A_37)
    "tpu.region"() ({
      %run_scoped3A = tpu.sem_alloc : memref<!tpu.dma_semaphore, #tpu.memory_space<semaphore_mem>>
      %dma_start3A_38 = arith.constant 0 : i32
      %dma_start3A_39 = tpu.memref_slice %arg6[%arg0, %mul3A_2, %dma_start3A_38] : memref<2x10240x128xf32, #tpu.memory_space<hbm>> -> memref<1x640x128xf32, #tpu.memory_space<hbm>>
      %dma_start3A_40 = tpu.memref_squeeze %dma_start3A_39 : memref<1x640x128xf32, #tpu.memory_space<hbm>> -> memref<640x128xf32, #tpu.memory_space<hbm>>
      %dma_start3A_41 = arith.constant 0 : i32
      %dma_start3A_42 = tpu.memref_slice %arg7[%mul3A_2, %dma_start3A_41] : memref<10240x128xf32, #tpu.memory_space<vmem_shared>> -> memref<640x128xf32, #tpu.memory_space<vmem_shared>>
      tpu.enqueue_dma source(%dma_start3A_42 : memref<640x128xf32, #tpu.memory_space<vmem_shared>>) target(%dma_start3A_40 : memref<640x128xf32, #tpu.memory_space<hbm>>) target_semaphore(%run_scoped3A : memref<!tpu.dma_semaphore, #tpu.memory_space<semaphore_mem>>)
      %dma_wait3A = arith.constant 0 : i32
      %dma_wait3A_43 = tpu.memref_slice %arg6[%arg0, %mul3A_2, %dma_wait3A] : memref<2x10240x128xf32, #tpu.memory_space<hbm>> -> memref<1x640x128xf32, #tpu.memory_space<hbm>>
      %dma_wait3A_44 = tpu.memref_squeeze %dma_wait3A_43 : memref<1x640x128xf32, #tpu.memory_space<hbm>> -> memref<640x128xf32, #tpu.memory_space<hbm>>
      %dma_wait3A_45 = arith.constant 0 : i32
      %dma_wait3A_46 = tpu.memref_slice %arg7[%mul3A_2, %dma_wait3A_45] : memref<10240x128xf32, #tpu.memory_space<vmem_shared>> -> memref<640x128xf32, #tpu.memory_space<vmem_shared>>
      tpu.wait_dma2 semaphore(%run_scoped3A : memref<!tpu.dma_semaphore, #tpu.memory_space<semaphore_mem>>) src(%dma_wait3A_46 : memref<640x128xf32, #tpu.memory_space<vmem_shared>>) dst(%dma_wait3A_44 : memref<640x128xf32, #tpu.memory_space<hbm>>)
      tpu.yield
    }) : () -> ()
    return
  }
}

#map = affine_map<(d0, d1) -> (0, 0)>
#map1 = affine_map<(d0, d1) -> (0, 0, 0, 0)>
#map2 = affine_map<(d0, d1) -> (0, 0, 0)>
module attributes {stable_mosaic.version = 14 : i64} {
  func.func @_sc_scatter(%arg0: i32, %arg1: i32, %arg2: memref<10240x128xf32, #tpu.memory_space<hbm>>, %arg3: memref<32x80x1x128xi32, #tpu.memory_space<hbm>>, %arg4: memref<32x80x1x128xi32, #tpu.memory_space<hbm>>, %arg5: memref<10240x128xf32, #tpu.memory_space<hbm>>, %arg6: memref<2x10240x128xf32, #tpu.memory_space<hbm>>, %arg7: memref<10240x128xf32, #tpu.memory_space<vmem_shared>>, %arg8: memref<80x1x128xi32, #tpu.memory_space<vmem>>, %arg9: memref<2x1x128xi32, #tpu.memory_space<vmem>>, %arg10: memref<2x128x128xf32, #tpu.memory_space<vmem>>, %arg11: memref<!tpu.dma_semaphore, #tpu.memory_space<semaphore_mem>>, %arg12: memref<!tpu.dma_semaphore, #tpu.memory_space<semaphore_mem>>, %arg13: memref<!tpu.dma_semaphore, #tpu.memory_space<semaphore_mem>>, %arg14: memref<!tpu.dma_semaphore, #tpu.memory_space<semaphore_mem>>) attributes {dimension_semantics = [#tpu.dimension_semantics<core_parallel>, #tpu.dimension_semantics<subcore_parallel>], iteration_bounds = array<i64: 2, 16>, scalar_prefetch = 0 : i64, scratch_operands = 8 : i64, tpu.core_type = #tpu.core_type<sc_vector_subcore>, window_params = [{transform_indices = #map}, {transform_indices = #map1}, {transform_indices = #map1}, {transform_indices = #map}, {transform_indices = #map2}]} {
    %mul3A = arith.constant 2 : i32
    %mul3A_0 = arith.muli %arg1, %mul3A : i32
    %add3A = arith.addi %mul3A_0, %arg0 : i32
    %mul3A_1 = arith.constant 640 : i32
    %mul3A_2 = arith.muli %arg1, %mul3A_1 : i32
    "tpu.region"() ({
      %run_scoped3A = tpu.sem_alloc : memref<!tpu.dma_semaphore, #tpu.memory_space<semaphore_mem>>
      %dma_start3A_38 = arith.constant 0 : i32
      %dma_start3A_39 = tpu.memref_slice %arg7[%mul3A_2, %dma_start3A_38] : memref<10240x128xf32, #tpu.memory_space<vmem_shared>> -> memref<640x128xf32, #tpu.memory_space<vmem_shared>>
      %dma_start3A_40 = arith.constant 0 : i32
      %dma_start3A_41 = tpu.memref_slice %arg5[%mul3A_2, %dma_start3A_40] : memref<10240x128xf32, #tpu.memory_space<hbm>> -> memref<640x128xf32, #tpu.memory_space<hbm>>
      tpu.enqueue_dma source(%dma_start3A_41 : memref<640x128xf32, #tpu.memory_space<hbm>>) target(%dma_start3A_39 : memref<640x128xf32, #tpu.memory_space<vmem_shared>>) target_semaphore(%run_scoped3A : memref<!tpu.dma_semaphore, #tpu.memory_space<semaphore_mem>>)
      %dma_wait3A = arith.constant 0 : i32
      %dma_wait3A_42 = tpu.memref_slice %arg7[%mul3A_2, %dma_wait3A] : memref<10240x128xf32, #tpu.memory_space<vmem_shared>> -> memref<640x128xf32, #tpu.memory_space<vmem_shared>>
      %dma_wait3A_43 = arith.constant 0 : i32
      %dma_wait3A_44 = tpu.memref_slice %arg5[%mul3A_2, %dma_wait3A_43] : memref<10240x128xf32, #tpu.memory_space<hbm>> -> memref<640x128xf32, #tpu.memory_space<hbm>>
      tpu.wait_dma2 semaphore(%run_scoped3A : memref<!tpu.dma_semaphore, #tpu.memory_space<semaphore_mem>>) src(%dma_wait3A_44 : memref<640x128xf32, #tpu.memory_space<hbm>>) dst(%dma_wait3A_42 : memref<640x128xf32, #tpu.memory_space<vmem_shared>>)
      tpu.yield
    }) : () -> ()
    "tpu.region"() ({
      %run_scoped3A = tpu.sem_alloc : memref<!tpu.dma_semaphore, #tpu.memory_space<semaphore_mem>>
      %dma_start3A_38 = arith.constant 0 : i32
      %dma_start3A_39 = arith.constant 0 : i32
      %dma_start3A_40 = arith.constant 0 : i32
      %dma_start3A_41 = tpu.memref_slice %arg3[%add3A, %dma_start3A_38, %dma_start3A_39, %dma_start3A_40] : memref<32x80x1x128xi32, #tpu.memory_space<hbm>> -> memref<1x80x1x128xi32, #tpu.memory_space<hbm>>
      %dma_start3A_42 = tpu.memref_squeeze %dma_start3A_41 : memref<1x80x1x128xi32, #tpu.memory_space<hbm>> -> memref<80x1x128xi32, #tpu.memory_space<hbm>>
      %dma_start3A_43 = arith.constant 0 : i32
      %dma_start3A_44 = arith.constant 0 : i32
      %dma_start3A_45 = arith.constant 0 : i32
      %dma_start3A_46 = tpu.memref_slice %arg3[%add3A, %dma_start3A_43, %dma_start3A_44, %dma_start3A_45] : memref<32x80x1x128xi32, #tpu.memory_space<hbm>> -> memref<1x80x1x128xi32, #tpu.memory_space<hbm>>
      %dma_start3A_47 = tpu.memref_squeeze %dma_start3A_46 : memref<1x80x1x128xi32, #tpu.memory_space<hbm>> -> memref<80x1x128xi32, #tpu.memory_space<hbm>>
      tpu.enqueue_dma source(%dma_start3A_47 : memref<80x1x128xi32, #tpu.memory_space<hbm>>) target(%arg8 : memref<80x1x128xi32, #tpu.memory_space<vmem>>) target_semaphore(%run_scoped3A : memref<!tpu.dma_semaphore, #tpu.memory_space<semaphore_mem>>)
      %dma_wait3A = arith.constant 0 : i32
      %dma_wait3A_48 = arith.constant 0 : i32
      %dma_wait3A_49 = arith.constant 0 : i32
      %dma_wait3A_50 = tpu.memref_slice %arg3[%add3A, %dma_wait3A, %dma_wait3A_48, %dma_wait3A_49] : memref<32x80x1x128xi32, #tpu.memory_space<hbm>> -> memref<1x80x1x128xi32, #tpu.memory_space<hbm>>
      %dma_wait3A_51 = tpu.memref_squeeze %dma_wait3A_50 : memref<1x80x1x128xi32, #tpu.memory_space<hbm>> -> memref<80x1x128xi32, #tpu.memory_space<hbm>>
      %dma_wait3A_52 = arith.constant 0 : i32
      %dma_wait3A_53 = arith.constant 0 : i32
      %dma_wait3A_54 = arith.constant 0 : i32
      %dma_wait3A_55 = tpu.memref_slice %arg3[%add3A, %dma_wait3A_52, %dma_wait3A_53, %dma_wait3A_54] : memref<32x80x1x128xi32, #tpu.memory_space<hbm>> -> memref<1x80x1x128xi32, #tpu.memory_space<hbm>>
      %dma_wait3A_56 = tpu.memref_squeeze %dma_wait3A_55 : memref<1x80x1x128xi32, #tpu.memory_space<hbm>> -> memref<80x1x128xi32, #tpu.memory_space<hbm>>
      tpu.wait_dma2 semaphore(%run_scoped3A : memref<!tpu.dma_semaphore, #tpu.memory_space<semaphore_mem>>) src(%dma_wait3A_56 : memref<80x1x128xi32, #tpu.memory_space<hbm>>) dst(%arg8 : memref<80x1x128xi32, #tpu.memory_space<vmem>>)
      tpu.yield
    }) : () -> ()
    %barrier3A = arith.constant 0 : index
    tpu.barrier barrier_id(%barrier3A)
    %dma_start3A = arith.constant 0 : i32
    %dma_start3A_3 = arith.constant 0 : i32
    %dma_start3A_4 = arith.constant 0 : i32
    %dma_start3A_5 = arith.constant 0 : i32
    %dma_start3A_6 = tpu.memref_slice %arg9[%dma_start3A_3, %dma_start3A_4, %dma_start3A_5] : memref<2x1x128xi32, #tpu.memory_space<vmem>> -> memref<1x1x128xi32, #tpu.memory_space<vmem>>
    %dma_start3A_7 = tpu.memref_squeeze %dma_start3A_6 : memref<1x1x128xi32, #tpu.memory_space<vmem>> -> memref<1x128xi32, #tpu.memory_space<vmem>>
    %dma_start3A_8 = arith.constant 0 : i32
    %dma_start3A_9 = arith.constant 0 : i32
    %dma_start3A_10 = tpu.memref_slice %arg4[%add3A, %dma_start3A, %dma_start3A_8, %dma_start3A_9] : memref<32x80x1x128xi32, #tpu.memory_space<hbm>> -> memref<1x1x1x128xi32, #tpu.memory_space<hbm>>
    %dma_start3A_11 = tpu.memref_squeeze %dma_start3A_10 : memref<1x1x1x128xi32, #tpu.memory_space<hbm>> -> memref<1x128xi32, #tpu.memory_space<hbm>>
    %dma_start3A_12 = arith.constant 0 : i32
    %dma_start3A_13 = arith.constant 0 : i32
    %dma_start3A_14 = tpu.memref_slice %arg9[%dma_start3A_3, %dma_start3A_12, %dma_start3A_13] : memref<2x1x128xi32, #tpu.memory_space<vmem>> -> memref<1x1x128xi32, #tpu.memory_space<vmem>>
    %dma_start3A_15 = tpu.memref_squeeze %dma_start3A_14 : memref<1x1x128xi32, #tpu.memory_space<vmem>> -> memref<1x128xi32, #tpu.memory_space<vmem>>
    %dma_start3A_16 = arith.constant 0 : i32
    %dma_start3A_17 = arith.constant 0 : i32
    %dma_start3A_18 = tpu.memref_slice %arg4[%add3A, %dma_start3A, %dma_start3A_16, %dma_start3A_17] : memref<32x80x1x128xi32, #tpu.memory_space<hbm>> -> memref<1x1x1x128xi32, #tpu.memory_space<hbm>>
    %dma_start3A_19 = tpu.memref_squeeze %dma_start3A_18 : memref<1x1x1x128xi32, #tpu.memory_space<hbm>> -> memref<1x128xi32, #tpu.memory_space<hbm>>
    tpu.enqueue_dma source(%dma_start3A_19 : memref<1x128xi32, #tpu.memory_space<hbm>>) target(%dma_start3A_15 : memref<1x128xi32, #tpu.memory_space<vmem>>) target_semaphore(%arg13 : memref<!tpu.dma_semaphore, #tpu.memory_space<semaphore_mem>>)
    %dma_start3A_20 = arith.constant 0 : i32
    %dma_start3A_21 = arith.constant 0 : i32
    %dma_start3A_22 = arith.constant 0 : i32
    %dma_start3A_23 = arith.constant 0 : i32
    %dma_start3A_24 = arith.constant 0 : i32
    %dma_start3A_25 = tpu.memref_slice %arg10[%dma_start3A_22, %dma_start3A_23, %dma_start3A_24] : memref<2x128x128xf32, #tpu.memory_space<vmem>> -> memref<1x128x128xf32, #tpu.memory_space<vmem>>
    %dma_start3A_26 = tpu.memref_squeeze %dma_start3A_25 : memref<1x128x128xf32, #tpu.memory_space<vmem>> -> memref<128x128xf32, #tpu.memory_space<vmem>>
    %dma_start3A_27 = arith.constant 0 : i32
    %dma_start3A_28 = tpu.memref_slice %arg8[%dma_start3A_20, %dma_start3A_21, %dma_start3A_27] : memref<80x1x128xi32, #tpu.memory_space<vmem>> -> memref<1x1x128xi32, #tpu.memory_space<vmem>>
    %dma_start3A_29 = tpu.memref_squeeze %dma_start3A_28 : memref<1x1x128xi32, #tpu.memory_space<vmem>> -> memref<128xi32, #tpu.memory_space<vmem>>
    %dma_start3A_30 = arith.constant 0 : i32
    %dma_start3A_31 = arith.constant 0 : i32
    %dma_start3A_32 = tpu.memref_slice %arg2[%dma_start3A_30, %dma_start3A_31] : memref<10240x128xf32, #tpu.memory_space<hbm>> -> memref<10240x128xf32, #tpu.memory_space<hbm>>
    tpu.enqueue_indirect_dma source(%dma_start3A_32 : memref<10240x128xf32, #tpu.memory_space<hbm>>) target(%dma_start3A_26 : memref<128x128xf32, #tpu.memory_space<vmem>>) offsets(%dma_start3A_29 : memref<128xi32, #tpu.memory_space<vmem>>) semaphore(%arg11 : memref<!tpu.dma_semaphore, #tpu.memory_space<semaphore_mem>>)
    %scan3A = arith.constant 0 : i32
    %scan3A_33 = arith.constant 40 : i32
    %scan3A_34 = arith.addi %scan3A, %scan3A_33 : i32
    %scan3A_35 = arith.constant 1 : i32
    scf.for %scan3A_38 = %scan3A to %scan3A_34 step %scan3A_35  : i32 {
      %mul3A_39 = arith.constant 2 : i32
      %mul3A_40 = arith.muli %scan3A_38, %mul3A_39 : i32
      %add3A_41 = arith.constant 0 : i32
      %add3A_42 = arith.addi %add3A_41, %mul3A_40 : i32
      %add3A_43 = arith.constant 0 : i32
      %add3A_44 = arith.addi %add3A_42, %add3A_43 : i32
      %add3A_45 = arith.constant 1 : i32
      %add3A_46 = arith.addi %add3A_44, %add3A_45 : i32
      %lt3A = arith.constant 80 : i32
      %lt3A_47 = arith.cmpi slt, %add3A_46, %lt3A : i32
      %convert_element_type3A = arith.extui %lt3A_47 : i1 to i32
      %cond3A = arith.constant 0 : i32
      %cond3A_48 = arith.cmpi ne, %convert_element_type3A, %cond3A : i32
      scf.if %cond3A_48 {
        %add3A_120 = arith.constant 1 : i32
        %add3A_121 = arith.addi %add3A_44, %add3A_120 : i32
        %dma_start3A_122 = arith.constant 1 : i32
        %dma_start3A_123 = arith.constant 0 : i32
        %dma_start3A_124 = arith.constant 0 : i32
        %dma_start3A_125 = tpu.memref_slice %arg9[%dma_start3A_122, %dma_start3A_123, %dma_start3A_124] : memref<2x1x128xi32, #tpu.memory_space<vmem>> -> memref<1x1x128xi32, #tpu.memory_space<vmem>>
        %dma_start3A_126 = tpu.memref_squeeze %dma_start3A_125 : memref<1x1x128xi32, #tpu.memory_space<vmem>> -> memref<1x128xi32, #tpu.memory_space<vmem>>
        %dma_start3A_127 = arith.constant 0 : i32
        %dma_start3A_128 = arith.constant 0 : i32
        %dma_start3A_129 = tpu.memref_slice %arg4[%add3A, %add3A_121, %dma_start3A_127, %dma_start3A_128] : memref<32x80x1x128xi32, #tpu.memory_space<hbm>> -> memref<1x1x1x128xi32, #tpu.memory_space<hbm>>
        %dma_start3A_130 = tpu.memref_squeeze %dma_start3A_129 : memref<1x1x1x128xi32, #tpu.memory_space<hbm>> -> memref<1x128xi32, #tpu.memory_space<hbm>>
        %dma_start3A_131 = arith.constant 0 : i32
        %dma_start3A_132 = arith.constant 0 : i32
        %dma_start3A_133 = tpu.memref_slice %arg9[%dma_start3A_122, %dma_start3A_131, %dma_start3A_132] : memref<2x1x128xi32, #tpu.memory_space<vmem>> -> memref<1x1x128xi32, #tpu.memory_space<vmem>>
        %dma_start3A_134 = tpu.memref_squeeze %dma_start3A_133 : memref<1x1x128xi32, #tpu.memory_space<vmem>> -> memref<1x128xi32, #tpu.memory_space<vmem>>
        %dma_start3A_135 = arith.constant 0 : i32
        %dma_start3A_136 = arith.constant 0 : i32
        %dma_start3A_137 = tpu.memref_slice %arg4[%add3A, %add3A_121, %dma_start3A_135, %dma_start3A_136] : memref<32x80x1x128xi32, #tpu.memory_space<hbm>> -> memref<1x1x1x128xi32, #tpu.memory_space<hbm>>
        %dma_start3A_138 = tpu.memref_squeeze %dma_start3A_137 : memref<1x1x1x128xi32, #tpu.memory_space<hbm>> -> memref<1x128xi32, #tpu.memory_space<hbm>>
        tpu.enqueue_dma source(%dma_start3A_138 : memref<1x128xi32, #tpu.memory_space<hbm>>) target(%dma_start3A_134 : memref<1x128xi32, #tpu.memory_space<vmem>>) target_semaphore(%arg14 : memref<!tpu.dma_semaphore, #tpu.memory_space<semaphore_mem>>)
        %add3A_139 = arith.constant 1 : i32
        %add3A_140 = arith.addi %add3A_44, %add3A_139 : i32
        %dma_start3A_141 = arith.constant 0 : i32
        %dma_start3A_142 = arith.constant 1 : i32
        %dma_start3A_143 = arith.constant 0 : i32
        %dma_start3A_144 = arith.constant 0 : i32
        %dma_start3A_145 = tpu.memref_slice %arg10[%dma_start3A_142, %dma_start3A_143, %dma_start3A_144] : memref<2x128x128xf32, #tpu.memory_space<vmem>> -> memref<1x128x128xf32, #tpu.memory_space<vmem>>
        %dma_start3A_146 = tpu.memref_squeeze %dma_start3A_145 : memref<1x128x128xf32, #tpu.memory_space<vmem>> -> memref<128x128xf32, #tpu.memory_space<vmem>>
        %dma_start3A_147 = arith.constant 0 : i32
        %dma_start3A_148 = tpu.memref_slice %arg8[%add3A_140, %dma_start3A_141, %dma_start3A_147] : memref<80x1x128xi32, #tpu.memory_space<vmem>> -> memref<1x1x128xi32, #tpu.memory_space<vmem>>
        %dma_start3A_149 = tpu.memref_squeeze %dma_start3A_148 : memref<1x1x128xi32, #tpu.memory_space<vmem>> -> memref<128xi32, #tpu.memory_space<vmem>>
        %dma_start3A_150 = arith.constant 0 : i32
        %dma_start3A_151 = arith.constant 0 : i32
        %dma_start3A_152 = tpu.memref_slice %arg2[%dma_start3A_150, %dma_start3A_151] : memref<10240x128xf32, #tpu.memory_space<hbm>> -> memref<10240x128xf32, #tpu.memory_space<hbm>>
        tpu.enqueue_indirect_dma source(%dma_start3A_152 : memref<10240x128xf32, #tpu.memory_space<hbm>>) target(%dma_start3A_146 : memref<128x128xf32, #tpu.memory_space<vmem>>) offsets(%dma_start3A_149 : memref<128xi32, #tpu.memory_space<vmem>>) semaphore(%arg12 : memref<!tpu.dma_semaphore, #tpu.memory_space<semaphore_mem>>)
      } else {
      }
      %dma_wait3A = arith.constant 0 : i32
      %dma_wait3A_49 = arith.constant 0 : i32
      %dma_wait3A_50 = arith.constant 0 : i32
      %dma_wait3A_51 = arith.constant 0 : i32
      %dma_wait3A_52 = tpu.memref_slice %arg10[%dma_wait3A_49, %dma_wait3A_50, %dma_wait3A_51] : memref<2x128x128xf32, #tpu.memory_space<vmem>> -> memref<1x128x128xf32, #tpu.memory_space<vmem>>
      %dma_wait3A_53 = tpu.memref_squeeze %dma_wait3A_52 : memref<1x128x128xf32, #tpu.memory_space<vmem>> -> memref<128x128xf32, #tpu.memory_space<vmem>>
      %dma_wait3A_54 = arith.constant 0 : i32
      %dma_wait3A_55 = tpu.memref_slice %arg8[%add3A_44, %dma_wait3A, %dma_wait3A_54] : memref<80x1x128xi32, #tpu.memory_space<vmem>> -> memref<1x1x128xi32, #tpu.memory_space<vmem>>
      %dma_wait3A_56 = tpu.memref_squeeze %dma_wait3A_55 : memref<1x1x128xi32, #tpu.memory_space<vmem>> -> memref<128xi32, #tpu.memory_space<vmem>>
      %dma_wait3A_57 = arith.constant 0 : i32
      %dma_wait3A_58 = arith.constant 0 : i32
      %dma_wait3A_59 = tpu.memref_slice %arg2[%dma_wait3A_57, %dma_wait3A_58] : memref<10240x128xf32, #tpu.memory_space<hbm>> -> memref<10240x128xf32, #tpu.memory_space<hbm>>
      tpu.wait_indirect_dma semaphore(%arg11 : memref<!tpu.dma_semaphore, #tpu.memory_space<semaphore_mem>>) src(%dma_wait3A_59 : memref<10240x128xf32, #tpu.memory_space<hbm>>) dst(%dma_wait3A_53 : memref<128x128xf32, #tpu.memory_space<vmem>>)
      %dma_wait3A_60 = arith.constant 0 : i32
      %dma_wait3A_61 = arith.constant 0 : i32
      %dma_wait3A_62 = arith.constant 0 : i32
      %dma_wait3A_63 = tpu.memref_slice %arg9[%dma_wait3A_60, %dma_wait3A_61, %dma_wait3A_62] : memref<2x1x128xi32, #tpu.memory_space<vmem>> -> memref<1x1x128xi32, #tpu.memory_space<vmem>>
      %dma_wait3A_64 = tpu.memref_squeeze %dma_wait3A_63 : memref<1x1x128xi32, #tpu.memory_space<vmem>> -> memref<1x128xi32, #tpu.memory_space<vmem>>
      %dma_wait3A_65 = arith.constant 0 : i32
      %dma_wait3A_66 = arith.constant 0 : i32
      %dma_wait3A_67 = tpu.memref_slice %arg4[%add3A, %add3A_44, %dma_wait3A_65, %dma_wait3A_66] : memref<32x80x1x128xi32, #tpu.memory_space<hbm>> -> memref<1x1x1x128xi32, #tpu.memory_space<hbm>>
      %dma_wait3A_68 = tpu.memref_squeeze %dma_wait3A_67 : memref<1x1x1x128xi32, #tpu.memory_space<hbm>> -> memref<1x128xi32, #tpu.memory_space<hbm>>
      %dma_wait3A_69 = arith.constant 0 : i32
      %dma_wait3A_70 = arith.constant 0 : i32
      %dma_wait3A_71 = tpu.memref_slice %arg9[%dma_wait3A_60, %dma_wait3A_69, %dma_wait3A_70] : memref<2x1x128xi32, #tpu.memory_space<vmem>> -> memref<1x1x128xi32, #tpu.memory_space<vmem>>
      %dma_wait3A_72 = tpu.memref_squeeze %dma_wait3A_71 : memref<1x1x128xi32, #tpu.memory_space<vmem>> -> memref<1x128xi32, #tpu.memory_space<vmem>>
      %dma_wait3A_73 = arith.constant 0 : i32
      %dma_wait3A_74 = arith.constant 0 : i32
      %dma_wait3A_75 = tpu.memref_slice %arg4[%add3A, %add3A_44, %dma_wait3A_73, %dma_wait3A_74] : memref<32x80x1x128xi32, #tpu.memory_space<hbm>> -> memref<1x1x1x128xi32, #tpu.memory_space<hbm>>
      %dma_wait3A_76 = tpu.memref_squeeze %dma_wait3A_75 : memref<1x1x1x128xi32, #tpu.memory_space<hbm>> -> memref<1x128xi32, #tpu.memory_space<hbm>>
      tpu.wait_dma2 semaphore(%arg13 : memref<!tpu.dma_semaphore, #tpu.memory_space<semaphore_mem>>) src(%dma_wait3A_76 : memref<1x128xi32, #tpu.memory_space<hbm>>) dst(%dma_wait3A_72 : memref<1x128xi32, #tpu.memory_space<vmem>>)
      %run_scoped3A = arith.constant 0 : i32
      %run_scoped3A_77 = arith.constant 0 : i32
      %run_scoped3A_78 = arith.constant 0 : i32
      "tpu.region"() ({
        %run_scoped3A_120 = tpu.sem_alloc : memref<!tpu.dma_semaphore, #tpu.memory_space<semaphore_mem>>
        %dma_start3A_121 = arith.constant 0 : i32
        %dma_start3A_122 = arith.constant 0 : i32
        %dma_start3A_123 = tpu.memref_slice %arg10[%run_scoped3A, %dma_start3A_121, %dma_start3A_122] : memref<2x128x128xf32, #tpu.memory_space<vmem>> -> memref<1x128x128xf32, #tpu.memory_space<vmem>>
        %dma_start3A_124 = tpu.memref_squeeze %dma_start3A_123 : memref<1x128x128xf32, #tpu.memory_space<vmem>> -> memref<128x128xf32, #tpu.memory_space<vmem>>
        %dma_start3A_125 = arith.constant 0 : i32
        %dma_start3A_126 = tpu.memref_slice %arg9[%run_scoped3A_77, %run_scoped3A_78, %dma_start3A_125] : memref<2x1x128xi32, #tpu.memory_space<vmem>> -> memref<1x1x128xi32, #tpu.memory_space<vmem>>
        %dma_start3A_127 = tpu.memref_squeeze %dma_start3A_126 : memref<1x1x128xi32, #tpu.memory_space<vmem>> -> memref<128xi32, #tpu.memory_space<vmem>>
        %dma_start3A_128 = arith.constant 0 : i32
        %dma_start3A_129 = arith.constant 0 : i32
        %dma_start3A_130 = tpu.memref_slice %arg7[%dma_start3A_128, %dma_start3A_129] : memref<10240x128xf32, #tpu.memory_space<vmem_shared>> -> memref<10240x128xf32, #tpu.memory_space<vmem_shared>>
        tpu.enqueue_indirect_dma source(%dma_start3A_124 : memref<128x128xf32, #tpu.memory_space<vmem>>) target(%dma_start3A_130 : memref<10240x128xf32, #tpu.memory_space<vmem_shared>>) offsets(%dma_start3A_127 : memref<128xi32, #tpu.memory_space<vmem>>) semaphore(%run_scoped3A_120 : memref<!tpu.dma_semaphore, #tpu.memory_space<semaphore_mem>>) {add = true}
        %dma_wait3A_131 = arith.constant 0 : i32
        %dma_wait3A_132 = arith.constant 0 : i32
        %dma_wait3A_133 = tpu.memref_slice %arg10[%run_scoped3A, %dma_wait3A_131, %dma_wait3A_132] : memref<2x128x128xf32, #tpu.memory_space<vmem>> -> memref<1x128x128xf32, #tpu.memory_space<vmem>>
        %dma_wait3A_134 = tpu.memref_squeeze %dma_wait3A_133 : memref<1x128x128xf32, #tpu.memory_space<vmem>> -> memref<128x128xf32, #tpu.memory_space<vmem>>
        %dma_wait3A_135 = arith.constant 0 : i32
        %dma_wait3A_136 = tpu.memref_slice %arg9[%run_scoped3A_77, %run_scoped3A_78, %dma_wait3A_135] : memref<2x1x128xi32, #tpu.memory_space<vmem>> -> memref<1x1x128xi32, #tpu.memory_space<vmem>>
        %dma_wait3A_137 = tpu.memref_squeeze %dma_wait3A_136 : memref<1x1x128xi32, #tpu.memory_space<vmem>> -> memref<128xi32, #tpu.memory_space<vmem>>
        %dma_wait3A_138 = arith.constant 0 : i32
        %dma_wait3A_139 = arith.constant 0 : i32
        %dma_wait3A_140 = tpu.memref_slice %arg7[%dma_wait3A_138, %dma_wait3A_139] : memref<10240x128xf32, #tpu.memory_space<vmem_shared>> -> memref<10240x128xf32, #tpu.memory_space<vmem_shared>>
        tpu.wait_indirect_dma semaphore(%run_scoped3A_120 : memref<!tpu.dma_semaphore, #tpu.memory_space<semaphore_mem>>) src(%dma_wait3A_134 : memref<128x128xf32, #tpu.memory_space<vmem>>) dst(%dma_wait3A_140 : memref<10240x128xf32, #tpu.memory_space<vmem_shared>>)
        tpu.yield
      }) : () -> ()
      %add3A_79 = arith.constant 1 : i32
      %add3A_80 = arith.addi %add3A_42, %add3A_79 : i32
      %add3A_81 = arith.constant 1 : i32
      %add3A_82 = arith.addi %add3A_80, %add3A_81 : i32
      %lt3A_83 = arith.constant 80 : i32
      %lt3A_84 = arith.cmpi slt, %add3A_82, %lt3A_83 : i32
      %convert_element_type3A_85 = arith.extui %lt3A_84 : i1 to i32
      %cond3A_86 = arith.constant 0 : i32
      %cond3A_87 = arith.cmpi ne, %convert_element_type3A_85, %cond3A_86 : i32
      scf.if %cond3A_87 {
        %add3A_120 = arith.constant 1 : i32
        %add3A_121 = arith.addi %add3A_80, %add3A_120 : i32
        %dma_start3A_122 = arith.constant 0 : i32
        %dma_start3A_123 = arith.constant 0 : i32
        %dma_start3A_124 = arith.constant 0 : i32
        %dma_start3A_125 = tpu.memref_slice %arg9[%dma_start3A_122, %dma_start3A_123, %dma_start3A_124] : memref<2x1x128xi32, #tpu.memory_space<vmem>> -> memref<1x1x128xi32, #tpu.memory_space<vmem>>
        %dma_start3A_126 = tpu.memref_squeeze %dma_start3A_125 : memref<1x1x128xi32, #tpu.memory_space<vmem>> -> memref<1x128xi32, #tpu.memory_space<vmem>>
        %dma_start3A_127 = arith.constant 0 : i32
        %dma_start3A_128 = arith.constant 0 : i32
        %dma_start3A_129 = tpu.memref_slice %arg4[%add3A, %add3A_121, %dma_start3A_127, %dma_start3A_128] : memref<32x80x1x128xi32, #tpu.memory_space<hbm>> -> memref<1x1x1x128xi32, #tpu.memory_space<hbm>>
        %dma_start3A_130 = tpu.memref_squeeze %dma_start3A_129 : memref<1x1x1x128xi32, #tpu.memory_space<hbm>> -> memref<1x128xi32, #tpu.memory_space<hbm>>
        %dma_start3A_131 = arith.constant 0 : i32
        %dma_start3A_132 = arith.constant 0 : i32
        %dma_start3A_133 = tpu.memref_slice %arg9[%dma_start3A_122, %dma_start3A_131, %dma_start3A_132] : memref<2x1x128xi32, #tpu.memory_space<vmem>> -> memref<1x1x128xi32, #tpu.memory_space<vmem>>
        %dma_start3A_134 = tpu.memref_squeeze %dma_start3A_133 : memref<1x1x128xi32, #tpu.memory_space<vmem>> -> memref<1x128xi32, #tpu.memory_space<vmem>>
        %dma_start3A_135 = arith.constant 0 : i32
        %dma_start3A_136 = arith.constant 0 : i32
        %dma_start3A_137 = tpu.memref_slice %arg4[%add3A, %add3A_121, %dma_start3A_135, %dma_start3A_136] : memref<32x80x1x128xi32, #tpu.memory_space<hbm>> -> memref<1x1x1x128xi32, #tpu.memory_space<hbm>>
        %dma_start3A_138 = tpu.memref_squeeze %dma_start3A_137 : memref<1x1x1x128xi32, #tpu.memory_space<hbm>> -> memref<1x128xi32, #tpu.memory_space<hbm>>
        tpu.enqueue_dma source(%dma_start3A_138 : memref<1x128xi32, #tpu.memory_space<hbm>>) target(%dma_start3A_134 : memref<1x128xi32, #tpu.memory_space<vmem>>) target_semaphore(%arg13 : memref<!tpu.dma_semaphore, #tpu.memory_space<semaphore_mem>>)
        %add3A_139 = arith.constant 1 : i32
        %add3A_140 = arith.addi %add3A_80, %add3A_139 : i32
        %dma_start3A_141 = arith.constant 0 : i32
        %dma_start3A_142 = arith.constant 0 : i32
        %dma_start3A_143 = arith.constant 0 : i32
        %dma_start3A_144 = arith.constant 0 : i32
        %dma_start3A_145 = tpu.memref_slice %arg10[%dma_start3A_142, %dma_start3A_143, %dma_start3A_144] : memref<2x128x128xf32, #tpu.memory_space<vmem>> -> memref<1x128x128xf32, #tpu.memory_space<vmem>>
        %dma_start3A_146 = tpu.memref_squeeze %dma_start3A_145 : memref<1x128x128xf32, #tpu.memory_space<vmem>> -> memref<128x128xf32, #tpu.memory_space<vmem>>
        %dma_start3A_147 = arith.constant 0 : i32
        %dma_start3A_148 = tpu.memref_slice %arg8[%add3A_140, %dma_start3A_141, %dma_start3A_147] : memref<80x1x128xi32, #tpu.memory_space<vmem>> -> memref<1x1x128xi32, #tpu.memory_space<vmem>>
        %dma_start3A_149 = tpu.memref_squeeze %dma_start3A_148 : memref<1x1x128xi32, #tpu.memory_space<vmem>> -> memref<128xi32, #tpu.memory_space<vmem>>
        %dma_start3A_150 = arith.constant 0 : i32
        %dma_start3A_151 = arith.constant 0 : i32
        %dma_start3A_152 = tpu.memref_slice %arg2[%dma_start3A_150, %dma_start3A_151] : memref<10240x128xf32, #tpu.memory_space<hbm>> -> memref<10240x128xf32, #tpu.memory_space<hbm>>
        tpu.enqueue_indirect_dma source(%dma_start3A_152 : memref<10240x128xf32, #tpu.memory_space<hbm>>) target(%dma_start3A_146 : memref<128x128xf32, #tpu.memory_space<vmem>>) offsets(%dma_start3A_149 : memref<128xi32, #tpu.memory_space<vmem>>) semaphore(%arg11 : memref<!tpu.dma_semaphore, #tpu.memory_space<semaphore_mem>>)
      } else {
      }
      %dma_wait3A_88 = arith.constant 0 : i32
      %dma_wait3A_89 = arith.constant 1 : i32
      %dma_wait3A_90 = arith.constant 0 : i32
      %dma_wait3A_91 = arith.constant 0 : i32
      %dma_wait3A_92 = tpu.memref_slice %arg10[%dma_wait3A_89, %dma_wait3A_90, %dma_wait3A_91] : memref<2x128x128xf32, #tpu.memory_space<vmem>> -> memref<1x128x128xf32, #tpu.memory_space<vmem>>
      %dma_wait3A_93 = tpu.memref_squeeze %dma_wait3A_92 : memref<1x128x128xf32, #tpu.memory_space<vmem>> -> memref<128x128xf32, #tpu.memory_space<vmem>>
      %dma_wait3A_94 = arith.constant 0 : i32
      %dma_wait3A_95 = tpu.memref_slice %arg8[%add3A_80, %dma_wait3A_88, %dma_wait3A_94] : memref<80x1x128xi32, #tpu.memory_space<vmem>> -> memref<1x1x128xi32, #tpu.memory_space<vmem>>
      %dma_wait3A_96 = tpu.memref_squeeze %dma_wait3A_95 : memref<1x1x128xi32, #tpu.memory_space<vmem>> -> memref<128xi32, #tpu.memory_space<vmem>>
      %dma_wait3A_97 = arith.constant 0 : i32
      %dma_wait3A_98 = arith.constant 0 : i32
      %dma_wait3A_99 = tpu.memref_slice %arg2[%dma_wait3A_97, %dma_wait3A_98] : memref<10240x128xf32, #tpu.memory_space<hbm>> -> memref<10240x128xf32, #tpu.memory_space<hbm>>
      tpu.wait_indirect_dma semaphore(%arg12 : memref<!tpu.dma_semaphore, #tpu.memory_space<semaphore_mem>>) src(%dma_wait3A_99 : memref<10240x128xf32, #tpu.memory_space<hbm>>) dst(%dma_wait3A_93 : memref<128x128xf32, #tpu.memory_space<vmem>>)
      %dma_wait3A_100 = arith.constant 1 : i32
      %dma_wait3A_101 = arith.constant 0 : i32
      %dma_wait3A_102 = arith.constant 0 : i32
      %dma_wait3A_103 = tpu.memref_slice %arg9[%dma_wait3A_100, %dma_wait3A_101, %dma_wait3A_102] : memref<2x1x128xi32, #tpu.memory_space<vmem>> -> memref<1x1x128xi32, #tpu.memory_space<vmem>>
      %dma_wait3A_104 = tpu.memref_squeeze %dma_wait3A_103 : memref<1x1x128xi32, #tpu.memory_space<vmem>> -> memref<1x128xi32, #tpu.memory_space<vmem>>
      %dma_wait3A_105 = arith.constant 0 : i32
      %dma_wait3A_106 = arith.constant 0 : i32
      %dma_wait3A_107 = tpu.memref_slice %arg4[%add3A, %add3A_80, %dma_wait3A_105, %dma_wait3A_106] : memref<32x80x1x128xi32, #tpu.memory_space<hbm>> -> memref<1x1x1x128xi32, #tpu.memory_space<hbm>>
      %dma_wait3A_108 = tpu.memref_squeeze %dma_wait3A_107 : memref<1x1x1x128xi32, #tpu.memory_space<hbm>> -> memref<1x128xi32, #tpu.memory_space<hbm>>
      %dma_wait3A_109 = arith.constant 0 : i32
      %dma_wait3A_110 = arith.constant 0 : i32
      %dma_wait3A_111 = tpu.memref_slice %arg9[%dma_wait3A_100, %dma_wait3A_109, %dma_wait3A_110] : memref<2x1x128xi32, #tpu.memory_space<vmem>> -> memref<1x1x128xi32, #tpu.memory_space<vmem>>
      %dma_wait3A_112 = tpu.memref_squeeze %dma_wait3A_111 : memref<1x1x128xi32, #tpu.memory_space<vmem>> -> memref<1x128xi32, #tpu.memory_space<vmem>>
      %dma_wait3A_113 = arith.constant 0 : i32
      %dma_wait3A_114 = arith.constant 0 : i32
      %dma_wait3A_115 = tpu.memref_slice %arg4[%add3A, %add3A_80, %dma_wait3A_113, %dma_wait3A_114] : memref<32x80x1x128xi32, #tpu.memory_space<hbm>> -> memref<1x1x1x128xi32, #tpu.memory_space<hbm>>
      %dma_wait3A_116 = tpu.memref_squeeze %dma_wait3A_115 : memref<1x1x1x128xi32, #tpu.memory_space<hbm>> -> memref<1x128xi32, #tpu.memory_space<hbm>>
      tpu.wait_dma2 semaphore(%arg14 : memref<!tpu.dma_semaphore, #tpu.memory_space<semaphore_mem>>) src(%dma_wait3A_116 : memref<1x128xi32, #tpu.memory_space<hbm>>) dst(%dma_wait3A_112 : memref<1x128xi32, #tpu.memory_space<vmem>>)
      %run_scoped3A_117 = arith.constant 1 : i32
      %run_scoped3A_118 = arith.constant 1 : i32
      %run_scoped3A_119 = arith.constant 0 : i32
      "tpu.region"() ({
        %run_scoped3A_120 = tpu.sem_alloc : memref<!tpu.dma_semaphore, #tpu.memory_space<semaphore_mem>>
        %dma_start3A_121 = arith.constant 0 : i32
        %dma_start3A_122 = arith.constant 0 : i32
        %dma_start3A_123 = tpu.memref_slice %arg10[%run_scoped3A_117, %dma_start3A_121, %dma_start3A_122] : memref<2x128x128xf32, #tpu.memory_space<vmem>> -> memref<1x128x128xf32, #tpu.memory_space<vmem>>
        %dma_start3A_124 = tpu.memref_squeeze %dma_start3A_123 : memref<1x128x128xf32, #tpu.memory_space<vmem>> -> memref<128x128xf32, #tpu.memory_space<vmem>>
        %dma_start3A_125 = arith.constant 0 : i32
        %dma_start3A_126 = tpu.memref_slice %arg9[%run_scoped3A_118, %run_scoped3A_119, %dma_start3A_125] : memref<2x1x128xi32, #tpu.memory_space<vmem>> -> memref<1x1x128xi32, #tpu.memory_space<vmem>>
        %dma_start3A_127 = tpu.memref_squeeze %dma_start3A_126 : memref<1x1x128xi32, #tpu.memory_space<vmem>> -> memref<128xi32, #tpu.memory_space<vmem>>
        %dma_start3A_128 = arith.constant 0 : i32
        %dma_start3A_129 = arith.constant 0 : i32
        %dma_start3A_130 = tpu.memref_slice %arg7[%dma_start3A_128, %dma_start3A_129] : memref<10240x128xf32, #tpu.memory_space<vmem_shared>> -> memref<10240x128xf32, #tpu.memory_space<vmem_shared>>
        tpu.enqueue_indirect_dma source(%dma_start3A_124 : memref<128x128xf32, #tpu.memory_space<vmem>>) target(%dma_start3A_130 : memref<10240x128xf32, #tpu.memory_space<vmem_shared>>) offsets(%dma_start3A_127 : memref<128xi32, #tpu.memory_space<vmem>>) semaphore(%run_scoped3A_120 : memref<!tpu.dma_semaphore, #tpu.memory_space<semaphore_mem>>) {add = true}
        %dma_wait3A_131 = arith.constant 0 : i32
        %dma_wait3A_132 = arith.constant 0 : i32
        %dma_wait3A_133 = tpu.memref_slice %arg10[%run_scoped3A_117, %dma_wait3A_131, %dma_wait3A_132] : memref<2x128x128xf32, #tpu.memory_space<vmem>> -> memref<1x128x128xf32, #tpu.memory_space<vmem>>
        %dma_wait3A_134 = tpu.memref_squeeze %dma_wait3A_133 : memref<1x128x128xf32, #tpu.memory_space<vmem>> -> memref<128x128xf32, #tpu.memory_space<vmem>>
        %dma_wait3A_135 = arith.constant 0 : i32
        %dma_wait3A_136 = tpu.memref_slice %arg9[%run_scoped3A_118, %run_scoped3A_119, %dma_wait3A_135] : memref<2x1x128xi32, #tpu.memory_space<vmem>> -> memref<1x1x128xi32, #tpu.memory_space<vmem>>
        %dma_wait3A_137 = tpu.memref_squeeze %dma_wait3A_136 : memref<1x1x128xi32, #tpu.memory_space<vmem>> -> memref<128xi32, #tpu.memory_space<vmem>>
        %dma_wait3A_138 = arith.constant 0 : i32
        %dma_wait3A_139 = arith.constant 0 : i32
        %dma_wait3A_140 = tpu.memref_slice %arg7[%dma_wait3A_138, %dma_wait3A_139] : memref<10240x128xf32, #tpu.memory_space<vmem_shared>> -> memref<10240x128xf32, #tpu.memory_space<vmem_shared>>
        tpu.wait_indirect_dma semaphore(%run_scoped3A_120 : memref<!tpu.dma_semaphore, #tpu.memory_space<semaphore_mem>>) src(%dma_wait3A_134 : memref<128x128xf32, #tpu.memory_space<vmem>>) dst(%dma_wait3A_140 : memref<10240x128xf32, #tpu.memory_space<vmem_shared>>)
        tpu.yield
      }) : () -> ()
    }
    %scan3A_36 = arith.constant 40 : i32
    %barrier3A_37 = arith.constant 0 : index
    tpu.barrier barrier_id(%barrier3A_37)
    "tpu.region"() ({
      %run_scoped3A = tpu.sem_alloc : memref<!tpu.dma_semaphore, #tpu.memory_space<semaphore_mem>>
      %dma_start3A_38 = arith.constant 0 : i32
      %dma_start3A_39 = tpu.memref_slice %arg6[%arg0, %mul3A_2, %dma_start3A_38] : memref<2x10240x128xf32, #tpu.memory_space<hbm>> -> memref<1x640x128xf32, #tpu.memory_space<hbm>>
      %dma_start3A_40 = tpu.memref_squeeze %dma_start3A_39 : memref<1x640x128xf32, #tpu.memory_space<hbm>> -> memref<640x128xf32, #tpu.memory_space<hbm>>
      %dma_start3A_41 = arith.constant 0 : i32
      %dma_start3A_42 = tpu.memref_slice %arg7[%mul3A_2, %dma_start3A_41] : memref<10240x128xf32, #tpu.memory_space<vmem_shared>> -> memref<640x128xf32, #tpu.memory_space<vmem_shared>>
      tpu.enqueue_dma source(%dma_start3A_42 : memref<640x128xf32, #tpu.memory_space<vmem_shared>>) target(%dma_start3A_40 : memref<640x128xf32, #tpu.memory_space<hbm>>) target_semaphore(%run_scoped3A : memref<!tpu.dma_semaphore, #tpu.memory_space<semaphore_mem>>)
      %dma_wait3A = arith.constant 0 : i32
      %dma_wait3A_43 = tpu.memref_slice %arg6[%arg0, %mul3A_2, %dma_wait3A] : memref<2x10240x128xf32, #tpu.memory_space<hbm>> -> memref<1x640x128xf32, #tpu.memory_space<hbm>>
      %dma_wait3A_44 = tpu.memref_squeeze %dma_wait3A_43 : memref<1x640x128xf32, #tpu.memory_space<hbm>> -> memref<640x128xf32, #tpu.memory_space<hbm>>
      %dma_wait3A_45 = arith.constant 0 : i32
      %dma_wait3A_46 = tpu.memref_slice %arg7[%mul3A_2, %dma_wait3A_45] : memref<10240x128xf32, #tpu.memory_space<vmem_shared>> -> memref<640x128xf32, #tpu.memory_space<vmem_shared>>
      tpu.wait_dma2 semaphore(%run_scoped3A : memref<!tpu.dma_semaphore, #tpu.memory_space<semaphore_mem>>) src(%dma_wait3A_46 : memref<640x128xf32, #tpu.memory_space<vmem_shared>>) dst(%dma_wait3A_44 : memref<640x128xf32, #tpu.memory_space<hbm>>)
      tpu.yield
    }) : () -> ()
    return
  }
}

module attributes {stable_mosaic.version = 14 : i64} {
  func.func @_tc_prep_body(%arg0: i32, %arg1: memref<1024x128xf32, #tpu.memory_space<vmem>>, %arg2: memref<128x128xf32, #tpu.memory_space<vmem>>, %arg3: memref<1x128xf32, #tpu.memory_space<vmem>>, %arg4: memref<1024x1xf32, #tpu.memory_space<vmem>>, %arg5: memref<1024x1xf32, #tpu.memory_space<vmem>>, %arg6: memref<1024x128xf32, #tpu.memory_space<vmem>>) attributes {dimension_semantics = [#tpu.dimension_semantics<arbitrary>], iteration_bounds = array<i64: 10>, scalar_prefetch = 0 : i64, scratch_operands = 0 : i64, tpu.core_type = #tpu.core_type<tc>, window_params = [{transform_indices = @transform_0, window_bounds = array<i64: 1024, 128>}, {pipeline_mode = #tpu.pipeline_mode<synchronous>, transform_indices = @transform_1, window_bounds = array<i64: 128, 128>}, {pipeline_mode = #tpu.pipeline_mode<synchronous>, transform_indices = @transform_2, window_bounds = array<i64: 1, 128>}, {transform_indices = @transform_3, window_bounds = array<i64: 1024, 1>}, {transform_indices = @transform_4, window_bounds = array<i64: 1024, 1>}, {transform_indices = @transform_5, window_bounds = array<i64: 1024, 128>}]} {
    %get3A = arith.constant 0 : index
    %get3A_0 = arith.constant 0 : index
    %get3A_1 = vector.load %arg1[%get3A, %get3A_0] : memref<1024x128xf32, #tpu.memory_space<vmem>>, vector<1024x128xf32>
    %get3A_2 = arith.constant 0 : index
    %get3A_3 = arith.constant 0 : index
    %get3A_4 = vector.load %arg2[%get3A_2, %get3A_3] : memref<128x128xf32, #tpu.memory_space<vmem>>, vector<128x128xf32>
    %dot_general3A = arith.constant dense<0.000000e+00> : vector<1024x128xf32>
    %dot_general3A_5 = tpu.matmul %get3A_1, %get3A_4, %dot_general3A {dimension_numbers = #tpu.dot_dimension_numbers<[1], [1], [0], [0], [0, 0, 1, 0], [], []>, transpose_lhs_hint = false} : vector<1024x128xf32>, vector<128x128xf32>, vector<1024x128xf32> -> vector<1024x128xf32>
    %get3A_6 = arith.constant 0 : index
    %get3A_7 = arith.constant 0 : index
    %get3A_8 = vector.load %arg3[%get3A_6, %get3A_7] : memref<1x128xf32, #tpu.memory_space<vmem>>, vector<1x128xf32>
    %add3A = vector.broadcast %get3A_8 : vector<1x128xf32> to vector<1024x128xf32>
    %add3A_9 = arith.addf %dot_general3A_5, %add3A : vector<1024x128xf32>
    %get3A_10 = arith.constant 0 : index
    %get3A_11 = arith.constant 0 : index
    %get3A_12 = vector.load %arg4[%get3A_10, %get3A_11] : memref<1024x1xf32, #tpu.memory_space<vmem>>, vector<1024x1xf32>
    %add3A_13 = arith.constant 1.000000e+00 : f32
    %add3A_14 = vector.broadcast %add3A_13 : f32 to vector<1024x1xf32>
    %add3A_15 = arith.addf %add3A_14, %get3A_12 : vector<1024x1xf32>
    %get3A_16 = arith.constant 0 : index
    %get3A_17 = arith.constant 0 : index
    %get3A_18 = vector.load %arg5[%get3A_16, %get3A_17] : memref<1024x1xf32, #tpu.memory_space<vmem>>, vector<1024x1xf32>
    %add3A_19 = arith.addf %add3A_15, %get3A_18 : vector<1024x1xf32>
    %rsqrt3A = math.rsqrt %add3A_19 : vector<1024x1xf32>
    %mul3A = vector.broadcast %rsqrt3A : vector<1024x1xf32> to vector<1024x128xf32>
    %mul3A_20 = arith.mulf %mul3A, %add3A_9 : vector<1024x128xf32>
    %swap3A = arith.constant 0 : index
    %swap3A_21 = arith.constant 0 : index
    %swap3A_22 = vector.load %arg6[%swap3A, %swap3A_21] : memref<1024x128xf32, #tpu.memory_space<vmem>>, vector<1024x128xf32>
    tpu.vector_store %arg6[%swap3A, %swap3A_21], %mul3A_20 {strides = array<i32>} : memref<1024x128xf32, #tpu.memory_space<vmem>>, vector<1024x128xf32>,
    return
  }
  func.func @transform_0(%arg0: i32) -> (i32, i32) {
    %c0_i32 = arith.constant 0 : i32
    %c0_i32_0 = arith.constant 0 : i32
    return %arg0, %c0_i32 : i32, i32
  }
  func.func @transform_1(%arg0: i32) -> (i32, i32) {
    %c0_i32 = arith.constant 0 : i32
    %c0_i32_0 = arith.constant 0 : i32
    %c0_i32_1 = arith.constant 0 : i32
    return %c0_i32, %c0_i32_0 : i32, i32
  }
  func.func @transform_2(%arg0: i32) -> (i32, i32) {
    %c0_i32 = arith.constant 0 : i32
    %c0_i32_0 = arith.constant 0 : i32
    %c0_i32_1 = arith.constant 0 : i32
    return %c0_i32, %c0_i32_0 : i32, i32
  }
  func.func @transform_3(%arg0: i32) -> (i32, i32) {
    %c0_i32 = arith.constant 0 : i32
    %c0_i32_0 = arith.constant 0 : i32
    return %arg0, %c0_i32 : i32, i32
  }
  func.func @transform_4(%arg0: i32) -> (i32, i32) {
    %c0_i32 = arith.constant 0 : i32
    %c0_i32_0 = arith.constant 0 : i32
    return %arg0, %c0_i32 : i32, i32
  }
  func.func @transform_5(%arg0: i32) -> (i32, i32) {
    %c0_i32 = arith.constant 0 : i32
    %c0_i32_0 = arith.constant 0 : i32
    return %arg0, %c0_i32 : i32, i32
  }
}

module attributes {stable_mosaic.version = 14 : i64} {
  func.func @_tc_layer_body(%arg0: i32, %arg1: memref<1024x128xf32, #tpu.memory_space<vmem>>, %arg2: memref<1024x128xf32, #tpu.memory_space<vmem>>, %arg3: memref<1024x128xf32, #tpu.memory_space<vmem>>, %arg4: memref<1024x1xf32, #tpu.memory_space<vmem>>, %arg5: memref<1024x1xf32, #tpu.memory_space<vmem>>, %arg6: memref<128x128xf32, #tpu.memory_space<vmem>>, %arg7: memref<1x128xf32, #tpu.memory_space<vmem>>, %arg8: memref<1024x128xf32, #tpu.memory_space<vmem>>) attributes {dimension_semantics = [#tpu.dimension_semantics<arbitrary>], iteration_bounds = array<i64: 10>, scalar_prefetch = 0 : i64, scratch_operands = 0 : i64, tpu.core_type = #tpu.core_type<tc>, window_params = [{transform_indices = @transform_0, window_bounds = array<i64: 1024, 128>}, {transform_indices = @transform_1, window_bounds = array<i64: 1024, 128>}, {transform_indices = @transform_2, window_bounds = array<i64: 1024, 128>}, {transform_indices = @transform_3, window_bounds = array<i64: 1024, 1>}, {transform_indices = @transform_4, window_bounds = array<i64: 1024, 1>}, {pipeline_mode = #tpu.pipeline_mode<synchronous>, transform_indices = @transform_5, window_bounds = array<i64: 128, 128>}, {pipeline_mode = #tpu.pipeline_mode<synchronous>, transform_indices = @transform_6, window_bounds = array<i64: 1, 128>}, {transform_indices = @transform_7, window_bounds = array<i64: 1024, 128>}]} {
    %get3A = arith.constant 0 : index
    %get3A_0 = arith.constant 0 : index
    %get3A_1 = vector.load %arg4[%get3A, %get3A_0] : memref<1024x1xf32, #tpu.memory_space<vmem>>, vector<1024x1xf32>
    %add3A = arith.constant 1.000000e+00 : f32
    %add3A_2 = vector.broadcast %add3A : f32 to vector<1024x1xf32>
    %add3A_3 = arith.addf %add3A_2, %get3A_1 : vector<1024x1xf32>
    %get3A_4 = arith.constant 0 : index
    %get3A_5 = arith.constant 0 : index
    %get3A_6 = vector.load %arg5[%get3A_4, %get3A_5] : memref<1024x1xf32, #tpu.memory_space<vmem>>, vector<1024x1xf32>
    %add3A_7 = arith.addf %add3A_3, %get3A_6 : vector<1024x1xf32>
    %rsqrt3A = math.rsqrt %add3A_7 : vector<1024x1xf32>
    %get3A_8 = arith.constant 0 : index
    %get3A_9 = arith.constant 0 : index
    %get3A_10 = vector.load %arg1[%get3A_8, %get3A_9] : memref<1024x128xf32, #tpu.memory_space<vmem>>, vector<1024x128xf32>
    %get3A_11 = arith.constant 0 : index
    %get3A_12 = arith.constant 0 : index
    %get3A_13 = vector.load %arg2[%get3A_11, %get3A_12] : memref<1024x128xf32, #tpu.memory_space<vmem>>, vector<1024x128xf32>
    %add3A_14 = arith.addf %get3A_10, %get3A_13 : vector<1024x128xf32>
    %get3A_15 = arith.constant 0 : index
    %get3A_16 = arith.constant 0 : index
    %get3A_17 = vector.load %arg3[%get3A_15, %get3A_16] : memref<1024x128xf32, #tpu.memory_space<vmem>>, vector<1024x128xf32>
    %add3A_18 = arith.addf %add3A_14, %get3A_17 : vector<1024x128xf32>
    %mul3A = vector.broadcast %rsqrt3A : vector<1024x1xf32> to vector<1024x128xf32>
    %mul3A_19 = arith.mulf %mul3A, %add3A_18 : vector<1024x128xf32>
    %get3A_20 = arith.constant 0 : index
    %get3A_21 = arith.constant 0 : index
    %get3A_22 = vector.load %arg6[%get3A_20, %get3A_21] : memref<128x128xf32, #tpu.memory_space<vmem>>, vector<128x128xf32>
    %dot_general3A = arith.constant dense<0.000000e+00> : vector<1024x128xf32>
    %dot_general3A_23 = tpu.matmul %mul3A_19, %get3A_22, %dot_general3A {dimension_numbers = #tpu.dot_dimension_numbers<[1], [1], [0], [0], [0, 0, 1, 0], [], []>, transpose_lhs_hint = false} : vector<1024x128xf32>, vector<128x128xf32>, vector<1024x128xf32> -> vector<1024x128xf32>
    %get3A_24 = arith.constant 0 : index
    %get3A_25 = arith.constant 0 : index
    %get3A_26 = vector.load %arg7[%get3A_24, %get3A_25] : memref<1x128xf32, #tpu.memory_space<vmem>>, vector<1x128xf32>
    %add3A_27 = vector.broadcast %get3A_26 : vector<1x128xf32> to vector<1024x128xf32>
    %add3A_28 = arith.addf %dot_general3A_23, %add3A_27 : vector<1024x128xf32>
    %max3A = arith.constant 0.000000e+00 : f32
    %max3A_29 = vector.broadcast %max3A : f32 to vector<1024x128xf32>
    %max3A_30 = arith.maximumf %add3A_28, %max3A_29 : vector<1024x128xf32>
    %mul3A_31 = vector.broadcast %rsqrt3A : vector<1024x1xf32> to vector<1024x128xf32>
    %mul3A_32 = arith.mulf %mul3A_31, %max3A_30 : vector<1024x128xf32>
    %swap3A = arith.constant 0 : index
    %swap3A_33 = arith.constant 0 : index
    %swap3A_34 = vector.load %arg8[%swap3A, %swap3A_33] : memref<1024x128xf32, #tpu.memory_space<vmem>>, vector<1024x128xf32>
    tpu.vector_store %arg8[%swap3A, %swap3A_33], %mul3A_32 {strides = array<i32>} : memref<1024x128xf32, #tpu.memory_space<vmem>>, vector<1024x128xf32>,
    return
  }
  func.func @transform_0(%arg0: i32) -> (i32, i32) {
    %c0_i32 = arith.constant 0 : i32
    %c0_i32_0 = arith.constant 0 : i32
    return %arg0, %c0_i32 : i32, i32
  }
  func.func @transform_1(%arg0: i32) -> (i32, i32) {
    %c0_i32 = arith.constant 0 : i32
    %c0_i32_0 = arith.constant 0 : i32
    return %arg0, %c0_i32 : i32, i32
  }
  func.func @transform_2(%arg0: i32) -> (i32, i32) {
    %c0_i32 = arith.constant 0 : i32
    %c0_i32_0 = arith.constant 0 : i32
    return %arg0, %c0_i32 : i32, i32
  }
  func.func @transform_3(%arg0: i32) -> (i32, i32) {
    %c0_i32 = arith.constant 0 : i32
    %c0_i32_0 = arith.constant 0 : i32
    return %arg0, %c0_i32 : i32, i32
  }
  func.func @transform_4(%arg0: i32) -> (i32, i32) {
    %c0_i32 = arith.constant 0 : i32
    %c0_i32_0 = arith.constant 0 : i32
    return %arg0, %c0_i32 : i32, i32
  }
  func.func @transform_5(%arg0: i32) -> (i32, i32) {
    %c0_i32 = arith.constant 0 : i32
    %c0_i32_0 = arith.constant 0 : i32
    %c0_i32_1 = arith.constant 0 : i32
    return %c0_i32, %c0_i32_0 : i32, i32
  }
  func.func @transform_6(%arg0: i32) -> (i32, i32) {
    %c0_i32 = arith.constant 0 : i32
    %c0_i32_0 = arith.constant 0 : i32
    %c0_i32_1 = arith.constant 0 : i32
    return %c0_i32, %c0_i32_0 : i32, i32
  }
  func.func @transform_7(%arg0: i32) -> (i32, i32) {
    %c0_i32 = arith.constant 0 : i32
    %c0_i32_0 = arith.constant 0 : i32
    return %arg0, %c0_i32 : i32, i32
  }
}

module attributes {stable_mosaic.version = 14 : i64} {
  func.func @_tc_final_body(%arg0: i32, %arg1: memref<1024x128xf32, #tpu.memory_space<vmem>>, %arg2: memref<1024x128xf32, #tpu.memory_space<vmem>>, %arg3: memref<1024x128xf32, #tpu.memory_space<vmem>>, %arg4: memref<1024x1xf32, #tpu.memory_space<vmem>>, %arg5: memref<1024x1xf32, #tpu.memory_space<vmem>>, %arg6: memref<128x128xf32, #tpu.memory_space<vmem>>, %arg7: memref<1x128xf32, #tpu.memory_space<vmem>>, %arg8: memref<128x128xf32, #tpu.memory_space<vmem>>, %arg9: memref<1x128xf32, #tpu.memory_space<vmem>>, %arg10: memref<1024x128xf32, #tpu.memory_space<vmem>>) attributes {dimension_semantics = [#tpu.dimension_semantics<arbitrary>], iteration_bounds = array<i64: 10>, scalar_prefetch = 0 : i64, scratch_operands = 0 : i64, tpu.core_type = #tpu.core_type<tc>, window_params = [{transform_indices = @transform_0, window_bounds = array<i64: 1024, 128>}, {transform_indices = @transform_1, window_bounds = array<i64: 1024, 128>}, {transform_indices = @transform_2, window_bounds = array<i64: 1024, 128>}, {transform_indices = @transform_3, window_bounds = array<i64: 1024, 1>}, {transform_indices = @transform_4, window_bounds = array<i64: 1024, 1>}, {pipeline_mode = #tpu.pipeline_mode<synchronous>, transform_indices = @transform_5, window_bounds = array<i64: 128, 128>}, {pipeline_mode = #tpu.pipeline_mode<synchronous>, transform_indices = @transform_6, window_bounds = array<i64: 1, 128>}, {pipeline_mode = #tpu.pipeline_mode<synchronous>, transform_indices = @transform_7, window_bounds = array<i64: 128, 128>}, {pipeline_mode = #tpu.pipeline_mode<synchronous>, transform_indices = @transform_8, window_bounds = array<i64: 1, 128>}, {transform_indices = @transform_9, window_bounds = array<i64: 1024, 128>}]} {
    %get3A = arith.constant 0 : index
    %get3A_0 = arith.constant 0 : index
    %get3A_1 = vector.load %arg4[%get3A, %get3A_0] : memref<1024x1xf32, #tpu.memory_space<vmem>>, vector<1024x1xf32>
    %add3A = arith.constant 1.000000e+00 : f32
    %add3A_2 = vector.broadcast %add3A : f32 to vector<1024x1xf32>
    %add3A_3 = arith.addf %add3A_2, %get3A_1 : vector<1024x1xf32>
    %get3A_4 = arith.constant 0 : index
    %get3A_5 = arith.constant 0 : index
    %get3A_6 = vector.load %arg5[%get3A_4, %get3A_5] : memref<1024x1xf32, #tpu.memory_space<vmem>>, vector<1024x1xf32>
    %add3A_7 = arith.addf %add3A_3, %get3A_6 : vector<1024x1xf32>
    %rsqrt3A = math.rsqrt %add3A_7 : vector<1024x1xf32>
    %get3A_8 = arith.constant 0 : index
    %get3A_9 = arith.constant 0 : index
    %get3A_10 = vector.load %arg1[%get3A_8, %get3A_9] : memref<1024x128xf32, #tpu.memory_space<vmem>>, vector<1024x128xf32>
    %get3A_11 = arith.constant 0 : index
    %get3A_12 = arith.constant 0 : index
    %get3A_13 = vector.load %arg2[%get3A_11, %get3A_12] : memref<1024x128xf32, #tpu.memory_space<vmem>>, vector<1024x128xf32>
    %add3A_14 = arith.addf %get3A_10, %get3A_13 : vector<1024x128xf32>
    %get3A_15 = arith.constant 0 : index
    %get3A_16 = arith.constant 0 : index
    %get3A_17 = vector.load %arg3[%get3A_15, %get3A_16] : memref<1024x128xf32, #tpu.memory_space<vmem>>, vector<1024x128xf32>
    %add3A_18 = arith.addf %add3A_14, %get3A_17 : vector<1024x128xf32>
    %mul3A = vector.broadcast %rsqrt3A : vector<1024x1xf32> to vector<1024x128xf32>
    %mul3A_19 = arith.mulf %mul3A, %add3A_18 : vector<1024x128xf32>
    %get3A_20 = arith.constant 0 : index
    %get3A_21 = arith.constant 0 : index
    %get3A_22 = vector.load %arg6[%get3A_20, %get3A_21] : memref<128x128xf32, #tpu.memory_space<vmem>>, vector<128x128xf32>
    %dot_general3A = arith.constant dense<0.000000e+00> : vector<1024x128xf32>
    %dot_general3A_23 = tpu.matmul %mul3A_19, %get3A_22, %dot_general3A {dimension_numbers = #tpu.dot_dimension_numbers<[1], [1], [0], [0], [0, 0, 1, 0], [], []>, transpose_lhs_hint = false} : vector<1024x128xf32>, vector<128x128xf32>, vector<1024x128xf32> -> vector<1024x128xf32>
    %get3A_24 = arith.constant 0 : index
    %get3A_25 = arith.constant 0 : index
    %get3A_26 = vector.load %arg7[%get3A_24, %get3A_25] : memref<1x128xf32, #tpu.memory_space<vmem>>, vector<1x128xf32>
    %add3A_27 = vector.broadcast %get3A_26 : vector<1x128xf32> to vector<1024x128xf32>
    %add3A_28 = arith.addf %dot_general3A_23, %add3A_27 : vector<1024x128xf32>
    %max3A = arith.constant 0.000000e+00 : f32
    %max3A_29 = vector.broadcast %max3A : f32 to vector<1024x128xf32>
    %max3A_30 = arith.maximumf %add3A_28, %max3A_29 : vector<1024x128xf32>
    %get3A_31 = arith.constant 0 : index
    %get3A_32 = arith.constant 0 : index
    %get3A_33 = vector.load %arg8[%get3A_31, %get3A_32] : memref<128x128xf32, #tpu.memory_space<vmem>>, vector<128x128xf32>
    %dot_general3A_34 = arith.constant dense<0.000000e+00> : vector<1024x128xf32>
    %dot_general3A_35 = tpu.matmul %max3A_30, %get3A_33, %dot_general3A_34 {dimension_numbers = #tpu.dot_dimension_numbers<[1], [1], [0], [0], [0, 0, 1, 0], [], []>, transpose_lhs_hint = false} : vector<1024x128xf32>, vector<128x128xf32>, vector<1024x128xf32> -> vector<1024x128xf32>
    %get3A_36 = arith.constant 0 : index
    %get3A_37 = arith.constant 0 : index
    %get3A_38 = vector.load %arg9[%get3A_36, %get3A_37] : memref<1x128xf32, #tpu.memory_space<vmem>>, vector<1x128xf32>
    %add3A_39 = vector.broadcast %get3A_38 : vector<1x128xf32> to vector<1024x128xf32>
    %add3A_40 = arith.addf %dot_general3A_35, %add3A_39 : vector<1024x128xf32>
    %swap3A = arith.constant 0 : index
    %swap3A_41 = arith.constant 0 : index
    %swap3A_42 = vector.load %arg10[%swap3A, %swap3A_41] : memref<1024x128xf32, #tpu.memory_space<vmem>>, vector<1024x128xf32>
    tpu.vector_store %arg10[%swap3A, %swap3A_41], %add3A_40 {strides = array<i32>} : memref<1024x128xf32, #tpu.memory_space<vmem>>, vector<1024x128xf32>,
    return
  }
  func.func @transform_0(%arg0: i32) -> (i32, i32) {
    %c0_i32 = arith.constant 0 : i32
    %c0_i32_0 = arith.constant 0 : i32
    return %arg0, %c0_i32 : i32, i32
  }
  func.func @transform_1(%arg0: i32) -> (i32, i32) {
    %c0_i32 = arith.constant 0 : i32
    %c0_i32_0 = arith.constant 0 : i32
    return %arg0, %c0_i32 : i32, i32
  }
  func.func @transform_2(%arg0: i32) -> (i32, i32) {
    %c0_i32 = arith.constant 0 : i32
    %c0_i32_0 = arith.constant 0 : i32
    return %arg0, %c0_i32 : i32, i32
  }
  func.func @transform_3(%arg0: i32) -> (i32, i32) {
    %c0_i32 = arith.constant 0 : i32
    %c0_i32_0 = arith.constant 0 : i32
    return %arg0, %c0_i32 : i32, i32
  }
  func.func @transform_4(%arg0: i32) -> (i32, i32) {
    %c0_i32 = arith.constant 0 : i32
    %c0_i32_0 = arith.constant 0 : i32
    return %arg0, %c0_i32 : i32, i32
  }
  func.func @transform_5(%arg0: i32) -> (i32, i32) {
    %c0_i32 = arith.constant 0 : i32
    %c0_i32_0 = arith.constant 0 : i32
    %c0_i32_1 = arith.constant 0 : i32
    return %c0_i32, %c0_i32_0 : i32, i32
  }
  func.func @transform_6(%arg0: i32) -> (i32, i32) {
    %c0_i32 = arith.constant 0 : i32
    %c0_i32_0 = arith.constant 0 : i32
    %c0_i32_1 = arith.constant 0 : i32
    return %c0_i32, %c0_i32_0 : i32, i32
  }
  func.func @transform_7(%arg0: i32) -> (i32, i32) {
    %c0_i32 = arith.constant 0 : i32
    %c0_i32_0 = arith.constant 0 : i32
    %c0_i32_1 = arith.constant 0 : i32
    return %c0_i32, %c0_i32_0 : i32, i32
  }
  func.func @transform_8(%arg0: i32) -> (i32, i32) {
    %c0_i32 = arith.constant 0 : i32
    %c0_i32_0 = arith.constant 0 : i32
    %c0_i32_1 = arith.constant 0 : i32
    return %c0_i32, %c0_i32_0 : i32, i32
  }
  func.func @transform_9(%arg0: i32) -> (i32, i32) {
    %c0_i32 = arith.constant 0 : i32
    %c0_i32_0 = arith.constant 0 : i32
    return %arg0, %c0_i32 : i32, i32
  }
}

</mosaic_0001>

<sc_bundles>
// kernel: kernel.11.cloned.1.call-start
scs
__scs_entry_jumppad:
0x0: {  	(pc) =	sbr.rel $0x88, $3  }
0x1: {  	(tag) =	ssettag $0x0;
	lr =	simm.s32 $0x1  }
0x2: {  	[smem:$0x3F97] =	sst lr;
	_ =	strace $0xD0000000  }
0x3: {  	_ = 	snop  }
0x4: {  	_ = 	snop  }
0x5: {  	_ = 	snop  }
0x6: {  	_ = 	snop  }
0x7: {  	_ = 	snop  }
__scs_overlays_trampoline_lowered:
0x8: {  	[smem:$0x3FA6] =	sst s0  }
0x9: {  	[smem:$0x3FA7] =	sst s1  }
0xa: {  	[smem:$0x3FA8] =	sst s2  }
0xb: {  	[smem:$0x3FA9] =	sst s3  }
0xc: {  	[smem:$0x3FAA] =	sst s4  }
0xd: {  	[smem:$0x3FAB] =	sst s5  }
0xe: {  	[smem:$0x3FAC] =	sst s6  }
0xf: {  	[smem:$0x3FAD] =	sst s7  }
0x10: {  	[smem:$0x3FAE] =	sst s8  }
0x11: {  	[smem:$0x3FAF] =	sst s9;
	s0 =	simm.s32 @!p0 $0x0  }
0x12: {  	s1 =	sld [smem:$0x3F95];
	s0 =	simm.s32 @p0 $0x1  }
0x13: {  	[smem:$0x3FB0] =	sst s0;
	s0 =	simm.s32 @!p1 $0x0  }
0x14: {  	s2 =	sld [smem:$0x3F94];
	s0 =	simm.s32 @p1 $0x1  }
0x15: {  	[smem:$0x3FB1] =	sst s0;
	s0 =	simm.s32 @!p2 $0x0  }
0x16: {  	s3 =	sld [smem:$0x3FDB];
	s0 =	simm.s32 @p2 $0x1  }
0x17: {  	s4 =	simm.s32 $0x1BF5;
	[smem:$0x3FB3] =	sst s0  }
0x18: {  	s0 =	sld [smem:$0x3F96];
	_ =	swait.ge [sflag:s4], $0x0  }
0x19: {  	s7 =	sld [smem:$0x3F97]  }
0x1a: {  	s8 =	sadd.s32 $0xFFFFE003, lr  }
0x1b: {  	s9 =	sadd.s32 $0xFFFFFEF7, lr;
	s5 =	simm.s32 $0xFFFFFFFF;
	p2 =	slt.u32 s8, $0xFFFFF086  }
0x1c: {  	p1 =	slt.u32 s9, $0xF7A;
	s5 =	simm.s32 @!p2 $0x0  }
0x1d: {  	s5 =	simm.s32 @p1 $0x1;
	p0 =	seq.s32 s7, s2  }
0x1e: {  	s7 =	smul.u32 @!p0 $0xF7A, s2;
	p2 =	seq.s32 @!p0 s5, $0x0  }
0x1f: {  	s9 =	smul.u32 $0xF7A, s1;
	s8 =	simm.s32 @!p0 $0x1BF5;
	p2 =	por !p2, p0  }
0x20: {  	[sflag:s8] =	ssyncset.s32 @!p0 $0xFFFFF086;
	s6 =	sadd.s32 @!p0 s3, s7;
	s7 =	simm.s32 @!p0 $0x108  }
0x21: {  	s3 =	sadd.s32 s3, s9;
	s6 =	sadd.s32 @!p0 $0x88, s6;
	s7 =	simm.s32 @p2 $0x1082  }
0x22: {  	[simem:s7], [sflag:s8] =	dma.local @!p0 [hbm:s6], $0xF7A  }
0x23: {  	s9 =	sor.u32 $0xD0000000, s2;
	s6 =	simm.s32 $0x108;
	_ =	swait.ge @!p0 [sflag:s8], $0x0  }
0x24: {  	s3 =	sadd.s32 $0x88, s3;
	s6 =	simm.s32 @!p1 $0x1082;
	[sflag:s4] =	ssyncset.s32 $0xFFFFF086  }
0x25: {  	[simem:s6], [sflag:s4] =	dma.local [hbm:s3], $0xF7A  }
0x26: {  	[smem:$0x3F97] =	sst s1;
	(tag) =	ssettag s2;
	_ =	strace s9  }
0x27: {  	s1 =	sld [smem:$0x3FA7]  }
0x28: {  	s2 =	sld [smem:$0x3FA8]  }
0x29: {  	s4 =	sld [smem:$0x3FAA]  }
0x2a: {  	p0 =	seq.s32 s5, $0x0;
	s5 =	sld [smem:$0x3FAB]  }
0x2b: {  	s6 =	sld [smem:$0x3FAC]  }
0x2c: {  	s7 =	sld [smem:$0x3FAD]  }
0x2d: {  	s3 =	simm.s32 $0x108;
	s8 =	sld [smem:$0x3FAE]  }
0x2e: {  	s3 =	simm.s32 @!p0 $0x1082;
	s9 =	sld [smem:$0x3FAF]  }
0x2f: {  	lr =	sadd.s32 s0, s3;
	s0 =	sld [smem:$0x3FA6]  }
0x30: {  	s3 =	sld [smem:$0x3FA9]  }
0x31: {  	[smem:$0x3FB2] =	sst s10  }
0x32: {  	s10 =	sld [smem:$0x3FB0];
	_ =	sdelay $0x3  }
0x33: {  	p0 =	seq.s32 s10, $0x1;
	s10 =	sld [smem:$0x3FB2];
	_ =	sdelay $0x3  }
0x34: {  	[smem:$0x3FB2] =	sst s10  }
0x35: {  	s10 =	sld [smem:$0x3FB1];
	_ =	sdelay $0x3  }
0x36: {  	p1 =	seq.s32 s10, $0x1;
	s10 =	sld [smem:$0x3FB2];
	_ =	sdelay $0x3  }
0x37: {  	[smem:$0x3FB2] =	sst s10  }
0x38: {  	s10 =	sld [smem:$0x3FB3]  }
0x39: {  	_ = 	snop;
	(pc) =	sbr.ind lr, $3  }
0x3a: {  	_ = 	snop  }
0x3b: {  	_ = 	snop  }
0x3c: {  	p2 =	seq.s32 s10, $0x1;
	s10 =	sld [smem:$0x3FB2]  }
0x3d: {  	_ =	shalt  }
0x3e: {  	_ =	shalt  }
0x3f: {  	_ =	shalt  }
0x40: {  	_ =	shalt  }
0x41: {  	_ =	shalt  }
0x42: {  	_ =	shalt  }
0x43: {  	_ =	shalt  }
0x44: {  	_ =	shalt  }
0x45: {  	_ =	shalt  }
0x46: {  	_ =	shalt  }
0x47: {  	_ =	shalt  }
0x48: {  	_ =	shalt  }
0x49: {  	_ =	shalt  }
0x4a: {  	_ =	shalt  }
0x4b: {  	_ =	shalt  }
0x4c: {  	_ =	shalt  }
0x4d: {  	_ =	shalt  }
0x4e: {  	_ =	shalt  }
0x4f: {  	_ =	shalt  }
0x50: {  	_ =	shalt  }
0x51: {  	_ =	shalt  }
0x52: {  	_ =	shalt  }
0x53: {  	_ =	shalt  }
0x54: {  	_ =	shalt  }
0x55: {  	_ =	shalt  }
0x56: {  	_ =	shalt  }
0x57: {  	_ =	shalt  }
0x58: {  	_ =	shalt  }
0x59: {  	_ =	shalt  }
0x5a: {  	_ =	shalt  }
0x5b: {  	_ =	shalt  }
0x5c: {  	_ =	shalt  }
0x5d: {  	_ =	shalt  }
0x5e: {  	_ =	shalt  }
0x5f: {  	_ =	shalt  }
0x60: {  	_ =	shalt  }
0x61: {  	_ =	shalt  }
0x62: {  	_ =	shalt  }
0x63: {  	_ =	shalt  }
0x64: {  	_ =	shalt  }
0x65: {  	_ =	shalt  }
0x66: {  	_ =	shalt  }
0x67: {  	_ =	shalt  }
0x68: {  	_ =	shalt  }
0x69: {  	_ =	shalt  }
0x6a: {  	_ =	shalt  }
0x6b: {  	_ =	shalt  }
0x6c: {  	_ =	shalt  }
0x6d: {  	_ =	shalt  }
0x6e: {  	_ =	shalt  }
0x6f: {  	_ =	shalt  }
0x70: {  	_ =	shalt  }
0x71: {  	_ =	shalt  }
0x72: {  	_ =	shalt  }
0x73: {  	_ =	shalt  }
0x74: {  	_ =	shalt  }
0x75: {  	_ =	shalt  }
0x76: {  	_ =	shalt  }
0x77: {  	_ =	shalt  }
0x78: {  	_ =	shalt  }
0x79: {  	_ =	shalt  }
0x7a: {  	_ =	shalt  }
0x7b: {  	_ =	shalt  }
0x7c: {  	_ =	shalt  }
0x7d: {  	_ =	shalt  }
0x7e: {  	_ =	shalt  }
0x7f: {  	_ =	shalt  }
0x80: {  	_ =	shalt  }
0x81: {  	_ =	shalt  }
0x82: {  	_ =	shalt  }
0x83: {  	_ =	shalt  }
0x84: {  	_ =	shalt  }
0x85: {  	_ =	shalt  }
0x86: {  	_ =	shalt  }
0x87: {  	_ =	shalt  }
.Lfunc_end0:
.L_simem_size_0:
called_computation.1_lowered:
.L_overlay_start_0:
0x88: {  	s2 =	sld [smem:$0x3FD9]  }
0x89: {  	s3 =	sld [smem:$0x3FFE];
	_ =	sdelay $0x1  }
0x8a: {  	s1 =	srdreg.scid  }
0x8b: {  	s0 =	sand.u32 $0x1, s1  }
0x8c: {  	s17 =	sshll.u32 s0, $0xA;
	s2 =	sadd.s32 s3, s2  }
0x8d: {  	s2 =	sadd.s32 s2, s17  }
0x8e: {  	[smem:$0x3FBE] =	sst s2  }
0x8f: {  	_ = 	snop  }
0x90: {  	s2 =	sld [smem:$0x3FD0];
	(tm) =	ssettm $0x1  }
0x91: {  	s18 =	sld [smem:$0x3FFB];
	_ =	sdelay $0x3  }
0x92: {  	_ =	strace s18  }
0x93: {  	s3 =	sld [smem:$0x3FFC];
	_ =	sdelay $0x3  }
0x94: {  	_ =	strace s3  }
0x95: {  	s3 =	sld [smem:$0x3FFD];
	_ =	sdelay $0x3  }
0x96: {  	_ =	strace s3  }
0x97: {  	_ =	strace $0x8FFFFFFF  }
0x98: {  	s19 =	sld [smem:$0x3FDB];
	_ =	sdelay $0x1  }
0x99: {  	s4 =	simm.s32 $_scs_section_size  }
0x9a: {  	s5 =	simm.s32 $_size__tile_overlayer_lowered;
	s6 =	simm.s32 $_tile_overlayer_lowered  }
0x9b: {  	s22 =	simm.s32 $0x1BFF;
	s21 =	sshll.u32 s6, $0x1;
	s3 =	sadd.s32 s4, s19  }
0x9c: {  	s7 =	simm.s32 $0x0;
	s20 =	sshll.u32 s5, $0x1;
	s5 =	sadd.s32 s21, s3  }
0x9d: {  	[timem:s7], [sflag:s22] =	dma.local [hbm:s5], s20  }
0x9e: {  	_ =	swait.ge [sflag:s22], s20  }
0x9f: {  	s4 =	ssub.s32 $0x0, s20;
	[sflag:s22] =	ssyncset.done $0x0  }
0xa0: {  	[sflag:s22] =	ssyncadd.s32 s4;
	_ =	sdelay $0x1  }
0xa1: {  	s23 =	simm.s32 $0x1B8B  }
0xa2: {  	_ =	swait.ge [sflag:s23], $0x1  }
0xa3: {  	[sflag:s23] =	ssyncset.done $0x0  }
0xa4: {  	s25 =	simm.s32 $0x1B8E;
	s24 =	sld [smem:$0x3FFE];
	[sflag:s23] =	ssyncadd.s32 $0xFFFFFFFF  }
0xa5: {  	s26 =	simm.s32 $execute0_lowered;
	[smem:$0x3FD2] =	sst s25  }
0xa6: {  	s5 =	sshll.u32 s26, $0x1;
	_ =	strace $0x80000049;
	[dreg:$0x1] =	wrdreg $0xFFFFFFFF  }
0xa7: {  	s28 =	simm.s32 $_size_execute0_lowered;
	s3 =	sadd.s32 s3, s5;
	[dreg:$0x0] =	wrdreg $0x0  }
0xa8: {  	s5 =	sshll.u32 s28, $0x1;
	[dreg:$0x2] =	wrdreg s3  }
0xa9: {  	[dreg:$0x3] =	wrdreg s5  }
0xaa: {  	[dreg:$0x4] =	wrdreg $0xC0  }
0xab: {  	_ =	task [dreg:s7], $0x5FFFF  }
0xac: {  	[dreg:$0x1] =	wrdreg $0xFFFFFFFF  }
0xad: {  	[dreg:$0x0] =	wrdreg $0x60  }
0xae: {  	[dreg:$0x2] =	wrdreg s24  }
0xaf: {  	[dreg:$0x3] =	wrdreg s2  }
0xb0: {  	[dreg:$0x4] =	wrdreg $0x0  }
0xb1: {  	[dreg:$0x5] =	wrdreg $0x9  }
0xb2: {  	_ =	task.clear_ibuf [dreg:s7], $0x6FFFF;
	_ =	strace $0x90000049  }
0xb3: {  	s29 =	simm.s32 $0x9;
	_ =	strace $0x8000004B  }
0xb4: {  	_ =	swait.ge [sflag:s29], $0x1  }
0xb5: {  	[sflag:s29] =	ssyncadd.s32 $0xFFFFFFFF  }
0xb6: {  	_ =	strace $0x9000004B  }
0xb7: {  	_ =	sfence  }
0xb8: {  	s30 =	sld [smem:$0x0];
	_ =	sdelay $0x2  }
0xb9: {  	s31 =	sshll.u32 s1, $0xD;
	s1 =	sshrl.u32 s1, $0x2  }
0xba: {  	s3 =	sand.u32 $0x4000, s31;
	s1 =	sadd.s32 s1, s30  }
0xbb: {  	s0 =	sor.u32 s3, s0;
	s1 =	sshll.u32 s1, $0x11  }
0xbc: {  	s0 =	sor.u32 s1, s0  }
0xbd: {  	s0 =	sadd.s32 $0x8F2B, s0  }
0xbe: {  	[sflag:s0] =	ssyncadd.remote.s32 $0x1  }
0xbf: {  	_ =	sfence.sel $0xFFFF  }
0xc0: {  	[dreg:$0x0] =	wrdreg $0xFFFFFFFF;
	(pc) =	sbr.abs _section_cstart, $3  }
0xc1: {  	[dreg:$0x1] =	wrdreg $0xFFFFFFFF  }
0xc2: {  	_ =	task.clear_ibuf [dreg:s7], $0x2FFFF;
	_ =	strace $0x9FFFFFFF  }
0xc3: {  	(tm) =	ssettm $0x7FFFFFFF  }
tec
execute0_lowered:
.L_overlay_start_1:
0x0: {  	(tag) =	ssettag $0x1  }
0x1: {  	s5 =	rddreg [dreg:$0x0];
	s1 =	srdreg.scid  }
0x2: {  	s0 =	stileid.u32;
	s13 =	rddreg [dreg:$0x1]  }
0x3: {  	s2 =	rddreg [dreg:$0x2];
	s3 =	simm.s32 $0x0;
	s17 =	simm.s32 $0x16800  }
0x4: {  	s18 =	simm.s32 $0x80;
	s28 =	simm.s32 $0x0;
	s8 =	smul.u32 $0x14000, s0  }
0x5: {  	s6 =	sand.u32 $0x1, s1;
	s19 =	sshll.u32 s0, $0x1;
	s12 =	smul.u32 $0x50000, s0  }
0x6: {  	[smem:$0x7FF] =	sst s3;
	s23 =	smul.u32 $0x5000, s0;
	s26 =	sshll.u32 s0, $0x6  }
0x7: {  	s4 =	sor.u32 s6, s19;
	_ =	strace $0x8000004A;
	s9 =	smul.u32 $0x140000, s6  }
0x8: {  	s21 =	ssub.s32 $0x2, s6;
	s25 =	smul.u32 $0x2800, s6;
	s6 =	sor.u32 $0x1C05, s26  }
0x9: {  	s19 =	simm.s32 $0x16900;
	s7 =	smul.u32 $0x2800, s4;
	s4 =	sadd.s32 $0x5E400, s5  }
0xa: {  	s20 =	sshrl.u32 s8, $0x3;
	s22 =	sshrl.u32 s21, $0x1;
	s24 =	sshrl.u32 s12, $0x2  }
0xb: {  	s8 =	sadd.s32 s8, s9;
	s15 =	ssub.s32 s21, s22;
	s16 =	sadd.s32 s24, s2  }
0xc: {  	s29 =	sadd.s32 s25, s23;
	s21 =	simm.s32 $0x1A900;
	s22 =	simm.s32 $0x1  }
0xd: {  	s23 =	simm.s32 $0x3;
	s24 =	simm.s32 $0x2;
	s25 =	simm.s32 $0x4  }
0xe: {  	s10 =	sshrl.u32 s7, $0x3;
	s7 =	sadd.s32 s20, s5;
	s8 =	sshrl.u32 s8, $0x3  }
0xf: {  	s30 =	sor.u32 $0x80, s29;
	s31 =	sor.u32 $0x100, s29;
	s20 =	simm.s32 $0x16880  }
0x10: {  	s11 =	sadd.s32 s10, s5;
	s14 =	sadd.s32 s8, s5;
	s5 =	sadd.s32 $0x86400, s7  }
0x11: {  	s8 =	sadd.s32 s13, s10;
	s10 =	smax.u32 s15, $0x1;
	s12 =	sshrl.u32 s30, $0x3  }
0x12: {  	s15 =	simm.s32 $0x5;
	s7 =	sadd.s32 $0x4400, s11;
	s9 =	sadd.s32 $0xAE400, s14  }
0x13: {  	s11 =	sadd.s32 $0x4F0, s8;
	s12 =	sadd.s32 s12, s13;
	s14 =	sshrl.u32 s31, $0x3  }
0x14: {  	s13 =	sadd.s32 s14, s13;
	s14 =	sshrl.u32 s16, $0x3;
	s16 =	simm.s32 $0x14000  }
.LBB2_1:
0x15: {  	[spmem:s14], [sflag:s6] =	dma.local [hbm:s5], $0x2800  }
0x16: {  	_ =	swait.ge [sflag:s15], $0x2800  }
0x17: {  	[sflag:s15] =	ssyncset.done $0x0  }
0x18: {  	[sflag:s15] =	ssyncadd.s32 $0xFFFFD800  }
0x19: {  	[tilespmem:s16], [sflag:$0x5] =	stream.linear.gather [hbm4b:s7+s3], $0x2800, $0x38;
	[tilespmem:$0x1E900] =	vst v63  }
0x1a: {  	_ =	swait.ge [sflag:s15], $0x2800  }
0x1b: {  	[sflag:s15] =	ssyncset.done $0x0  }
0x1c: {  	[sflag:s15] =	ssyncadd.s32 $0xFFFFD800  }
0x1d: {  	[bflag:$0x0] =	sbarrier.arrive $0xFFFF  }
0x1e: {  	[tilespmem:s17], [sflag:$0x3] =	stream.linear.gather [hbm4b:s8+s3], $0x80, $0x38;
	[tilespmem:$0x1E900] =	vst v63  }
0x1f: {  	_ = 	snop  }
0x20: {  	[tilespmem:s19], [sflag:$0x1] =	stream.indirect.gather [hbm4b:s4+s18], $0x80, s16, s18, $0xb8;
	[tilespmem:$0x1E900] =	vst v63  }
0x21: {  	s29 =	sadd.s32 $0x0, s12  }
0x22: {  	[tilespmem:s20], [sflag:$0x4] =	stream.linear.gather [hbm4b:s29+s3], $0x80, $0x38;
	[tilespmem:$0x1E900] =	vst v63  }
0x23: {  	s29 =	simm.s32 $0x14080  }
0x24: {  	[tilespmem:s21], [sflag:$0x2] =	stream.indirect.gather [hbm4b:s4+s18], $0x80, s29, s18, $0xb8;
	[tilespmem:$0x1E900] =	vst v63  }
0x25: {  	_ =	swait.ge [sflag:s22], $0x4000  }
0x26: {  	[sflag:s22] =	ssyncset.done $0x0  }
0x27: {  	[sflag:s22] =	ssyncadd.s32 $0xFFFFC000  }
0x28: {  	_ =	swait.ge [sflag:s23], $0x80  }
0x29: {  	[sflag:s23] =	ssyncset.done $0x0  }
0x2a: {  	[sflag:s23] =	ssyncadd.s32 $0xFFFFFF80  }
0x2b: {  	[spmem:s2] =	stream.indirect.scatter.add.f32 [tilespmem:s19], [sflag:$0x5], $0x80, s17, s18, $0xb8;
	[tilespmem:$0x1E900] =	vst v63  }
0x2c: {  	_ =	swait.ge [sflag:s15], $0x4000  }
0x2d: {  	[sflag:s15] =	ssyncset.done $0x0  }
0x2e: {  	s29 =	sadd.s32 $0x0, s13;
	[sflag:s15] =	ssyncadd.s32 $0xFFFFC000  }
0x2f: {  	[tilespmem:s17], [sflag:$0x3] =	stream.linear.gather [hbm4b:s29+s3], $0x80, $0x38;
	[tilespmem:$0x1E900] =	vst v63  }
0x30: {  	s29 =	simm.s32 $0x14100  }
0x31: {  	[tilespmem:s19], [sflag:$0x1] =	stream.indirect.gather [hbm4b:s4+s18], $0x80, s29, s18, $0xb8;
	[tilespmem:$0x1E900] =	vst v63  }
0x32: {  	_ =	swait.ge [sflag:s24], $0x4000  }
0x33: {  	[sflag:s24] =	ssyncset.done $0x0  }
0x34: {  	[sflag:s24] =	ssyncadd.s32 $0xFFFFC000  }
0x35: {  	_ =	swait.ge [sflag:s25], $0x80  }
0x36: {  	[sflag:s25] =	ssyncset.done $0x0  }
0x37: {  	[sflag:s25] =	ssyncadd.s32 $0xFFFFFF80  }
0x38: {  	[spmem:s2] =	stream.indirect.scatter.add.f32 [tilespmem:s21], [sflag:$0x5], $0x80, s20, s18, $0xb8;
	[tilespmem:$0x1E900] =	vst v63  }
0x39: {  	s31 =	simm.s32 $0x40;
	_ =	swait.ge [sflag:s15], $0x4000  }
0x3a: {  	s30 =	simm.s32 $0x14180;
	s29 =	simm.s32 $0x20;
	[sflag:s15] =	ssyncset.done $0x0  }
.LBB2_2:
0x3b: {  	s1 =	sadd.s32 s29, s12  }
0x3c: {  	[sflag:s15] =	ssyncadd.s32 $0xFFFFC000;
	s0 =	smov.u32 s31;
	s26 =	sadd.s32 $0x20, s31  }
0x3d: {  	[tilespmem:s20], [sflag:$0x4] =	stream.linear.gather [hbm4b:s1+s3], $0x80, $0x38;
	[tilespmem:$0x1E900] =	vst v63  }
0x3e: {  	p0 =	sne.s32 s31, $0x4C0  }
0x3f: {  	[tilespmem:s21], [sflag:$0x2] =	stream.indirect.gather [hbm4b:s4+s18], $0x80, s30, s18, $0xb8;
	[tilespmem:$0x1E900] =	vst v63  }
0x40: {  	_ =	swait.ge [sflag:s22], $0x4000  }
0x41: {  	[sflag:s22] =	ssyncset.done $0x0  }
0x42: {  	[sflag:s22] =	ssyncadd.s32 $0xFFFFC000  }
0x43: {  	_ =	swait.ge [sflag:s23], $0x80  }
0x44: {  	[sflag:s23] =	ssyncset.done $0x0  }
0x45: {  	[sflag:s23] =	ssyncadd.s32 $0xFFFFFF80  }
0x46: {  	[spmem:s2] =	stream.indirect.scatter.add.f32 [tilespmem:s19], [sflag:$0x5], $0x80, s17, s18, $0xb8;
	[tilespmem:$0x1E900] =	vst v63  }
0x47: {  	_ =	swait.ge [sflag:s15], $0x4000  }
0x48: {  	[sflag:s15] =	ssyncset.done $0x0  }
0x49: {  	s1 =	sadd.s32 s29, s13;
	s29 =	smov.u32 s0;
	[sflag:s15] =	ssyncadd.s32 $0xFFFFC000  }
0x4a: {  	[tilespmem:s17], [sflag:$0x3] =	stream.linear.gather [hbm4b:s1+s3], $0x80, $0x38;
	[tilespmem:$0x1E900] =	vst v63  }
0x4b: {  	s0 =	sadd.s32 $0x80, s30  }
0x4c: {  	[tilespmem:s19], [sflag:$0x1] =	stream.indirect.gather [hbm4b:s4+s18], $0x80, s0, s18, $0xb8;
	[tilespmem:$0x1E900] =	vst v63  }
0x4d: {  	_ =	swait.ge [sflag:s24], $0x4000  }
0x4e: {  	[sflag:s24] =	ssyncset.done $0x0  }
0x4f: {  	[sflag:s24] =	ssyncadd.s32 $0xFFFFC000  }
0x50: {  	_ =	swait.ge [sflag:s25], $0x80  }
.Ltmp0:
0x51: {  	[sflag:s25] =	ssyncset.done $0x0;
	(pc) =	sbr.rel @p0 .LBB2_2-.Ltmp0, $4  }
0x52: {  	[sflag:s25] =	ssyncadd.s32 $0xFFFFFF80  }
0x53: {  	[spmem:s2] =	stream.indirect.scatter.add.f32 [tilespmem:s21], [sflag:$0x5], $0x80, s20, s18, $0xb8;
	[tilespmem:$0x1E900] =	vst v63  }
0x54: {  	_ =	swait.ge [sflag:s15], $0x4000  }
0x55: {  	s31 =	smov.u32 s26;
	s30 =	sadd.s32 $0x100, s30;
	[sflag:s15] =	ssyncset.done $0x0  }
0x56: {  	s0 =	sadd.s32 s29, s12;
	[sflag:s15] =	ssyncadd.s32 $0xFFFFC000  }
0x57: {  	[tilespmem:s20], [sflag:$0x4] =	stream.linear.gather [hbm4b:s0+s3], $0x80, $0x38;
	[tilespmem:$0x1E900] =	vst v63  }
0x58: {  	_ = 	snop  }
0x59: {  	[tilespmem:s21], [sflag:$0x2] =	stream.indirect.gather [hbm4b:s4+s18], $0x80, s30, s18, $0xb8;
	[tilespmem:$0x1E900] =	vst v63  }
0x5a: {  	_ =	swait.ge [sflag:s22], $0x4000  }
0x5b: {  	[sflag:s22] =	ssyncset.done $0x0  }
0x5c: {  	[sflag:s22] =	ssyncadd.s32 $0xFFFFC000  }
0x5d: {  	_ =	swait.ge [sflag:s23], $0x80  }
0x5e: {  	[sflag:s23] =	ssyncset.done $0x0  }
0x5f: {  	[sflag:s23] =	ssyncadd.s32 $0xFFFFFF80  }
0x60: {  	[spmem:s2] =	stream.indirect.scatter.add.f32 [tilespmem:s19], [sflag:$0x5], $0x80, s17, s18, $0xb8;
	[tilespmem:$0x1E900] =	vst v63  }
0x61: {  	_ =	swait.ge [sflag:s15], $0x4000  }
0x62: {  	[sflag:s15] =	ssyncset.done $0x0  }
0x63: {  	s29 =	sadd.s32 s29, s13;
	[sflag:s15] =	ssyncadd.s32 $0xFFFFC000  }
0x64: {  	[tilespmem:s17], [sflag:$0x3] =	stream.linear.gather [hbm4b:s29+s3], $0x80, $0x38;
	[tilespmem:$0x1E900] =	vst v63  }
0x65: {  	s30 =	sadd.s32 $0x80, s30  }
0x66: {  	[tilespmem:s19], [sflag:$0x1] =	stream.indirect.gather [hbm4b:s4+s18], $0x80, s30, s18, $0xb8;
	[tilespmem:$0x1E900] =	vst v63  }
0x67: {  	_ =	swait.ge [sflag:s24], $0x4000  }
0x68: {  	[sflag:s24] =	ssyncset.done $0x0  }
0x69: {  	[sflag:s24] =	ssyncadd.s32 $0xFFFFC000  }
0x6a: {  	_ =	swait.ge [sflag:s25], $0x80  }
0x6b: {  	[sflag:s25] =	ssyncset.done $0x0  }
0x6c: {  	[sflag:s25] =	ssyncadd.s32 $0xFFFFFF80  }
0x6d: {  	[spmem:s2] =	stream.indirect.scatter.add.f32 [tilespmem:s21], [sflag:$0x5], $0x80, s20, s18, $0xb8;
	[tilespmem:$0x1E900] =	vst v63  }
0x6e: {  	_ =	swait.ge [sflag:s15], $0x4000  }
0x6f: {  	[sflag:s15] =	ssyncset.done $0x0  }
0x70: {  	[sflag:s15] =	ssyncadd.s32 $0xFFFFC000  }
0x71: {  	[tilespmem:s20], [sflag:$0x4] =	stream.linear.gather [hbm4b:s11+s3], $0x80, $0x38;
	[tilespmem:$0x1E900] =	vst v63  }
0x72: {  	s31 =	simm.s32 $0x16780  }
0x73: {  	[tilespmem:s21], [sflag:$0x2] =	stream.indirect.gather [hbm4b:s4+s18], $0x80, s31, s18, $0xb8;
	[tilespmem:$0x1E900] =	vst v63  }
0x74: {  	_ =	swait.ge [sflag:s22], $0x4000  }
0x75: {  	[sflag:s22] =	ssyncset.done $0x0  }
0x76: {  	[sflag:s22] =	ssyncadd.s32 $0xFFFFC000  }
0x77: {  	_ =	swait.ge [sflag:s23], $0x80  }
0x78: {  	[sflag:s23] =	ssyncset.done $0x0  }
0x79: {  	[sflag:s23] =	ssyncadd.s32 $0xFFFFFF80  }
0x7a: {  	[spmem:s2] =	stream.indirect.scatter.add.f32 [tilespmem:s19], [sflag:$0x5], $0x80, s17, s18, $0xb8;
	[tilespmem:$0x1E900] =	vst v63  }
0x7b: {  	_ =	swait.ge [sflag:s15], $0x4000  }
0x7c: {  	[sflag:s15] =	ssyncset.done $0x0  }
0x7d: {  	[sflag:s15] =	ssyncadd.s32 $0xFFFFC000  }
0x7e: {  	_ =	swait.ge [sflag:s24], $0x4000  }
0x7f: {  	[sflag:s24] =	ssyncset.done $0x0  }
0x80: {  	[sflag:s24] =	ssyncadd.s32 $0xFFFFC000  }
0x81: {  	_ =	swait.ge [sflag:s25], $0x80  }
0x82: {  	[sflag:s25] =	ssyncset.done $0x0  }
0x83: {  	[sflag:s25] =	ssyncadd.s32 $0xFFFFFF80  }
0x84: {  	[spmem:s2] =	stream.indirect.scatter.add.f32 [tilespmem:s21], [sflag:$0x5], $0x80, s20, s18, $0xb8;
	[tilespmem:$0x1E900] =	vst v63  }
0x85: {  	_ =	swait.ge [sflag:s15], $0x4000  }
0x86: {  	s28 =	sadd.s32 $0x1, s28;
	[sflag:s15] =	ssyncset.done $0x0  }
0x87: {  	p0 =	sne.s32 s28, s10;
	[sflag:s15] =	ssyncadd.s32 $0xFFFFC000  }
.Ltmp1:
0x88: {  	[bflag:$0x0] =	sbarrier.arrive $0xFFFF;
	(pc) =	sbr.rel @p0 .LBB2_1-.Ltmp1, $4  }
0x89: {  	[hbm:s9], [sflag:s6] =	dma.local [spmem:s14], $0x2800  }
0x8a: {  	_ =	swait.ge [sflag:s15], $0x2800  }
0x8b: {  	[sflag:s15] =	ssyncset.done $0x0  }
0x8c: {  	[sflag:s15] =	ssyncadd.s32 $0xFFFFD800  }
0x8d: {  	_ =	sfence.sel $0x180000  }
0x8e: {  	[bflag:$0x0] =	sbarrier.arrive $0xFFFF  }
0x8f: {  	_ =	strace $0x9000004A  }
0x90: {  	s0 =	stileid.u32;
	[bflag:$0x2] =	sbarrier.arrive $0xFFFF  }
0x91: {  	p0 =	sne.s32 s0, $0x0;
	s0 =	rddreg [dreg:$0x3]  }
0x92: {  	s0 =	sadd.s32 @!p0 $0x100000, s0  }
0x93: {  	[sflag:s0] =	ssyncadd.tile.s32 @!p0 $0x1;
	_ =	shalt  }
.Lfunc_end2:
_tile_overlayer_lowered:
.L_overlay_start_2:
0x94: {  	(tag) =	ssettag $0x2  }
0x95: {  	s0 =	rddreg [dreg:$0x0];
	s2 =	stileid.u32  }
0x96: {  	s1 =	rddreg [dreg:$0x1];
	p0 =	sne.s32 s2, $0x0  }
0x97: {  	s3 =	rddreg [dreg:$0x2];
	[bflag:$0x3] =	sbarrier.arrive $0xFFFF;
	s2 =	simm.s32 @!p0 $0x1C05  }
0x98: {  	[timem:s3], [sflag:s2] =	dma.local @!p0 [hbm:s0], s1  }
0x99: {  	s0 =	simm.s32 @!p0 $0x5  }
0x9a: {  	_ =	swait.ge @!p0 [sflag:s0], s1  }
0x9b: {  	s1 =	ssub.s32 @!p0 $0x0, s1;
	[sflag:s0] =	ssyncset.done @!p0 $0x0  }
0x9c: {  	[sflag:s0] =	ssyncadd.s32 @!p0 s1  }
0x9d: {  	[bflag:$0x3] =	sbarrier.arrive $0xFFFF  }
0x9e: {  	_ =	shalt  }

// kernel: kernel.14.cloned.1.call-start
scs
__scs_entry_jumppad:
0x0: {  	(pc) =	sbr.rel $0x88, $3  }
0x1: {  	(tag) =	ssettag $0x0;
	lr =	simm.s32 $0x1  }
0x2: {  	[smem:$0x3F97] =	sst lr;
	_ =	strace $0xD0000000  }
0x3: {  	_ = 	snop  }
0x4: {  	_ = 	snop  }
0x5: {  	_ = 	snop  }
0x6: {  	_ = 	snop  }
0x7: {  	_ = 	snop  }
__scs_overlays_trampoline_lowered:
0x8: {  	[smem:$0x3FA6] =	sst s0  }
0x9: {  	[smem:$0x3FA7] =	sst s1  }
0xa: {  	[smem:$0x3FA8] =	sst s2  }
0xb: {  	[smem:$0x3FA9] =	sst s3  }
0xc: {  	[smem:$0x3FAA] =	sst s4  }
0xd: {  	[smem:$0x3FAB] =	sst s5  }
0xe: {  	[smem:$0x3FAC] =	sst s6  }
0xf: {  	[smem:$0x3FAD] =	sst s7  }
0x10: {  	[smem:$0x3FAE] =	sst s8  }
0x11: {  	[smem:$0x3FAF] =	sst s9;
	s0 =	simm.s32 @!p0 $0x0  }
0x12: {  	s1 =	sld [smem:$0x3F95];
	s0 =	simm.s32 @p0 $0x1  }
0x13: {  	[smem:$0x3FB0] =	sst s0;
	s0 =	simm.s32 @!p1 $0x0  }
0x14: {  	s2 =	sld [smem:$0x3F94];
	s0 =	simm.s32 @p1 $0x1  }
0x15: {  	[smem:$0x3FB1] =	sst s0;
	s0 =	simm.s32 @!p2 $0x0  }
0x16: {  	s3 =	sld [smem:$0x3FDB];
	s0 =	simm.s32 @p2 $0x1  }
0x17: {  	s4 =	simm.s32 $0x1BF5;
	[smem:$0x3FB3] =	sst s0  }
0x18: {  	s0 =	sld [smem:$0x3F96];
	_ =	swait.ge [sflag:s4], $0x0  }
0x19: {  	s7 =	sld [smem:$0x3F97]  }
0x1a: {  	s8 =	sadd.s32 $0xFFFFE003, lr  }
0x1b: {  	s9 =	sadd.s32 $0xFFFFFEF7, lr;
	s5 =	simm.s32 $0xFFFFFFFF;
	p2 =	slt.u32 s8, $0xFFFFF086  }
0x1c: {  	p1 =	slt.u32 s9, $0xF7A;
	s5 =	simm.s32 @!p2 $0x0  }
0x1d: {  	s5 =	simm.s32 @p1 $0x1;
	p0 =	seq.s32 s7, s2  }
0x1e: {  	s7 =	smul.u32 @!p0 $0xF7A, s2;
	p2 =	seq.s32 @!p0 s5, $0x0  }
0x1f: {  	s9 =	smul.u32 $0xF7A, s1;
	s8 =	simm.s32 @!p0 $0x1BF5;
	p2 =	por !p2, p0  }
0x20: {  	[sflag:s8] =	ssyncset.s32 @!p0 $0xFFFFF086;
	s6 =	sadd.s32 @!p0 s3, s7;
	s7 =	simm.s32 @!p0 $0x108  }
0x21: {  	s3 =	sadd.s32 s3, s9;
	s6 =	sadd.s32 @!p0 $0x88, s6;
	s7 =	simm.s32 @p2 $0x1082  }
0x22: {  	[simem:s7], [sflag:s8] =	dma.local @!p0 [hbm:s6], $0xF7A  }
0x23: {  	s9 =	sor.u32 $0xD0000000, s2;
	s6 =	simm.s32 $0x108;
	_ =	swait.ge @!p0 [sflag:s8], $0x0  }
0x24: {  	s3 =	sadd.s32 $0x88, s3;
	s6 =	simm.s32 @!p1 $0x1082;
	[sflag:s4] =	ssyncset.s32 $0xFFFFF086  }
0x25: {  	[simem:s6], [sflag:s4] =	dma.local [hbm:s3], $0xF7A  }
0x26: {  	[smem:$0x3F97] =	sst s1;
	(tag) =	ssettag s2;
	_ =	strace s9  }
0x27: {  	s1 =	sld [smem:$0x3FA7]  }
0x28: {  	s2 =	sld [smem:$0x3FA8]  }
0x29: {  	s4 =	sld [smem:$0x3FAA]  }
0x2a: {  	p0 =	seq.s32 s5, $0x0;
	s5 =	sld [smem:$0x3FAB]  }
0x2b: {  	s6 =	sld [smem:$0x3FAC]  }
0x2c: {  	s7 =	sld [smem:$0x3FAD]  }
0x2d: {  	s3 =	simm.s32 $0x108;
	s8 =	sld [smem:$0x3FAE]  }
0x2e: {  	s3 =	simm.s32 @!p0 $0x1082;
	s9 =	sld [smem:$0x3FAF]  }
0x2f: {  	lr =	sadd.s32 s0, s3;
	s0 =	sld [smem:$0x3FA6]  }
0x30: {  	s3 =	sld [smem:$0x3FA9]  }
0x31: {  	[smem:$0x3FB2] =	sst s10  }
0x32: {  	s10 =	sld [smem:$0x3FB0];
	_ =	sdelay $0x3  }
0x33: {  	p0 =	seq.s32 s10, $0x1;
	s10 =	sld [smem:$0x3FB2];
	_ =	sdelay $0x3  }
0x34: {  	[smem:$0x3FB2] =	sst s10  }
0x35: {  	s10 =	sld [smem:$0x3FB1];
	_ =	sdelay $0x3  }
0x36: {  	p1 =	seq.s32 s10, $0x1;
	s10 =	sld [smem:$0x3FB2];
	_ =	sdelay $0x3  }
0x37: {  	[smem:$0x3FB2] =	sst s10  }
0x38: {  	s10 =	sld [smem:$0x3FB3]  }
0x39: {  	_ = 	snop;
	(pc) =	sbr.ind lr, $3  }
0x3a: {  	_ = 	snop  }
0x3b: {  	_ = 	snop  }
0x3c: {  	p2 =	seq.s32 s10, $0x1;
	s10 =	sld [smem:$0x3FB2]  }
0x3d: {  	_ =	shalt  }
0x3e: {  	_ =	shalt  }
0x3f: {  	_ =	shalt  }
0x40: {  	_ =	shalt  }
0x41: {  	_ =	shalt  }
0x42: {  	_ =	shalt  }
0x43: {  	_ =	shalt  }
0x44: {  	_ =	shalt  }
0x45: {  	_ =	shalt  }
0x46: {  	_ =	shalt  }
0x47: {  	_ =	shalt  }
0x48: {  	_ =	shalt  }
0x49: {  	_ =	shalt  }
0x4a: {  	_ =	shalt  }
0x4b: {  	_ =	shalt  }
0x4c: {  	_ =	shalt  }
0x4d: {  	_ =	shalt  }
0x4e: {  	_ =	shalt  }
0x4f: {  	_ =	shalt  }
0x50: {  	_ =	shalt  }
0x51: {  	_ =	shalt  }
0x52: {  	_ =	shalt  }
0x53: {  	_ =	shalt  }
0x54: {  	_ =	shalt  }
0x55: {  	_ =	shalt  }
0x56: {  	_ =	shalt  }
0x57: {  	_ =	shalt  }
0x58: {  	_ =	shalt  }
0x59: {  	_ =	shalt  }
0x5a: {  	_ =	shalt  }
0x5b: {  	_ =	shalt  }
0x5c: {  	_ =	shalt  }
0x5d: {  	_ =	shalt  }
0x5e: {  	_ =	shalt  }
0x5f: {  	_ =	shalt  }
0x60: {  	_ =	shalt  }
0x61: {  	_ =	shalt  }
0x62: {  	_ =	shalt  }
0x63: {  	_ =	shalt  }
0x64: {  	_ =	shalt  }
0x65: {  	_ =	shalt  }
0x66: {  	_ =	shalt  }
0x67: {  	_ =	shalt  }
0x68: {  	_ =	shalt  }
0x69: {  	_ =	shalt  }
0x6a: {  	_ =	shalt  }
0x6b: {  	_ =	shalt  }
0x6c: {  	_ =	shalt  }
0x6d: {  	_ =	shalt  }
0x6e: {  	_ =	shalt  }
0x6f: {  	_ =	shalt  }
0x70: {  	_ =	shalt  }
0x71: {  	_ =	shalt  }
0x72: {  	_ =	shalt  }
0x73: {  	_ =	shalt  }
0x74: {  	_ =	shalt  }
0x75: {  	_ =	shalt  }
0x76: {  	_ =	shalt  }
0x77: {  	_ =	shalt  }
0x78: {  	_ =	shalt  }
0x79: {  	_ =	shalt  }
0x7a: {  	_ =	shalt  }
0x7b: {  	_ =	shalt  }
0x7c: {  	_ =	shalt  }
0x7d: {  	_ =	shalt  }
0x7e: {  	_ =	shalt  }
0x7f: {  	_ =	shalt  }
0x80: {  	_ =	shalt  }
0x81: {  	_ =	shalt  }
0x82: {  	_ =	shalt  }
0x83: {  	_ =	shalt  }
0x84: {  	_ =	shalt  }
0x85: {  	_ =	shalt  }
0x86: {  	_ =	shalt  }
0x87: {  	_ =	shalt  }
.Lfunc_end0:
.L_simem_size_0:
called_computation.2_lowered:
.L_overlay_start_0:
0x88: {  	s2 =	sld [smem:$0x3FD9]  }
0x89: {  	s3 =	sld [smem:$0x3FFE];
	_ =	sdelay $0x1  }
0x8a: {  	s1 =	srdreg.scid  }
0x8b: {  	s0 =	sand.u32 $0x1, s1  }
0x8c: {  	s17 =	sshll.u32 s0, $0xA;
	s2 =	sadd.s32 s3, s2  }
0x8d: {  	s2 =	sadd.s32 s2, s17  }
0x8e: {  	[smem:$0x3FBE] =	sst s2  }
0x8f: {  	_ = 	snop  }
0x90: {  	s2 =	sld [smem:$0x3FD0];
	(tm) =	ssettm $0x1  }
0x91: {  	s18 =	sld [smem:$0x3FFB];
	_ =	sdelay $0x3  }
0x92: {  	_ =	strace s18  }
0x93: {  	s3 =	sld [smem:$0x3FFC];
	_ =	sdelay $0x3  }
0x94: {  	_ =	strace s3  }
0x95: {  	s3 =	sld [smem:$0x3FFD];
	_ =	sdelay $0x3  }
0x96: {  	_ =	strace s3  }
0x97: {  	_ =	strace $0x8FFFFFFF  }
0x98: {  	s19 =	sld [smem:$0x3FDB];
	_ =	sdelay $0x1  }
0x99: {  	s4 =	simm.s32 $_scs_section_size  }
0x9a: {  	s5 =	simm.s32 $_size__tile_overlayer_lowered;
	s6 =	simm.s32 $_tile_overlayer_lowered  }
0x9b: {  	s22 =	simm.s32 $0x1BFF;
	s21 =	sshll.u32 s6, $0x1;
	s3 =	sadd.s32 s4, s19  }
0x9c: {  	s7 =	simm.s32 $0x0;
	s20 =	sshll.u32 s5, $0x1;
	s5 =	sadd.s32 s21, s3  }
0x9d: {  	[timem:s7], [sflag:s22] =	dma.local [hbm:s5], s20  }
0x9e: {  	_ =	swait.ge [sflag:s22], s20  }
0x9f: {  	s4 =	ssub.s32 $0x0, s20;
	[sflag:s22] =	ssyncset.done $0x0  }
0xa0: {  	[sflag:s22] =	ssyncadd.s32 s4;
	_ =	sdelay $0x1  }
0xa1: {  	s23 =	simm.s32 $0x1B8B  }
0xa2: {  	_ =	swait.ge [sflag:s23], $0x1  }
0xa3: {  	[sflag:s23] =	ssyncset.done $0x0  }
0xa4: {  	s25 =	simm.s32 $0x1B8E;
	s24 =	sld [smem:$0x3FFE];
	[sflag:s23] =	ssyncadd.s32 $0xFFFFFFFF  }
0xa5: {  	s26 =	simm.s32 $execute0_lowered;
	[smem:$0x3FD2] =	sst s25  }
0xa6: {  	s5 =	sshll.u32 s26, $0x1;
	_ =	strace $0x8000004C;
	[dreg:$0x1] =	wrdreg $0xFFFFFFFF  }
0xa7: {  	s28 =	simm.s32 $_size_execute0_lowered;
	s3 =	sadd.s32 s3, s5;
	[dreg:$0x0] =	wrdreg $0x0  }
0xa8: {  	s5 =	sshll.u32 s28, $0x1;
	[dreg:$0x2] =	wrdreg s3  }
0xa9: {  	[dreg:$0x3] =	wrdreg s5  }
0xaa: {  	[dreg:$0x4] =	wrdreg $0xC0  }
0xab: {  	_ =	task [dreg:s7], $0x5FFFF  }
0xac: {  	[dreg:$0x1] =	wrdreg $0xFFFFFFFF  }
0xad: {  	[dreg:$0x0] =	wrdreg $0x60  }
0xae: {  	[dreg:$0x2] =	wrdreg s24  }
0xaf: {  	[dreg:$0x3] =	wrdreg s2  }
0xb0: {  	[dreg:$0x4] =	wrdreg $0x0  }
0xb1: {  	[dreg:$0x5] =	wrdreg $0x9  }
0xb2: {  	_ =	task.clear_ibuf [dreg:s7], $0x6FFFF;
	_ =	strace $0x9000004C  }
0xb3: {  	s29 =	simm.s32 $0x9;
	_ =	strace $0x8000004E  }
0xb4: {  	_ =	swait.ge [sflag:s29], $0x1  }
0xb5: {  	[sflag:s29] =	ssyncadd.s32 $0xFFFFFFFF  }
0xb6: {  	_ =	strace $0x9000004E  }
0xb7: {  	_ =	sfence  }
0xb8: {  	s30 =	sld [smem:$0x0];
	_ =	sdelay $0x2  }
0xb9: {  	s31 =	sshll.u32 s1, $0xD;
	s1 =	sshrl.u32 s1, $0x2  }
0xba: {  	s3 =	sand.u32 $0x4000, s31;
	s1 =	sadd.s32 s1, s30  }
0xbb: {  	s0 =	sor.u32 s3, s0;
	s1 =	sshll.u32 s1, $0x11  }
0xbc: {  	s0 =	sor.u32 s1, s0  }
0xbd: {  	s0 =	sadd.s32 $0x8F2B, s0  }
0xbe: {  	[sflag:s0] =	ssyncadd.remote.s32 $0x1  }
0xbf: {  	_ =	sfence.sel $0xFFFF  }
0xc0: {  	[dreg:$0x0] =	wrdreg $0xFFFFFFFF;
	(pc) =	sbr.abs _section_cstart, $3  }
0xc1: {  	[dreg:$0x1] =	wrdreg $0xFFFFFFFF  }
0xc2: {  	_ =	task.clear_ibuf [dreg:s7], $0x2FFFF;
	_ =	strace $0x9FFFFFFF  }
0xc3: {  	(tm) =	ssettm $0x7FFFFFFF  }
tec
execute0_lowered:
.L_overlay_start_1:
0x0: {  	(tag) =	ssettag $0x1  }
0x1: {  	s5 =	rddreg [dreg:$0x0];
	s1 =	srdreg.scid  }
0x2: {  	s0 =	stileid.u32;
	s13 =	rddreg [dreg:$0x1]  }
0x3: {  	s2 =	rddreg [dreg:$0x2];
	s3 =	simm.s32 $0x0;
	s17 =	simm.s32 $0x16800  }
0x4: {  	s18 =	simm.s32 $0x80;
	s28 =	simm.s32 $0x0;
	s8 =	smul.u32 $0x14000, s0  }
0x5: {  	s6 =	sand.u32 $0x1, s1;
	s19 =	sshll.u32 s0, $0x1;
	s12 =	smul.u32 $0x50000, s0  }
0x6: {  	[smem:$0x7FF] =	sst s3;
	s23 =	smul.u32 $0x5000, s0;
	s26 =	sshll.u32 s0, $0x6  }
0x7: {  	s4 =	sor.u32 s6, s19;
	_ =	strace $0x8000004D;
	s9 =	smul.u32 $0x140000, s6  }
0x8: {  	s21 =	ssub.s32 $0x2, s6;
	s25 =	smul.u32 $0x2800, s6;
	s6 =	sor.u32 $0x1C05, s26  }
0x9: {  	s19 =	simm.s32 $0x16900;
	s7 =	smul.u32 $0x2800, s4;
	s4 =	sadd.s32 $0x5E400, s5  }
0xa: {  	s20 =	sshrl.u32 s8, $0x3;
	s22 =	sshrl.u32 s21, $0x1;
	s24 =	sshrl.u32 s12, $0x2  }
0xb: {  	s8 =	sadd.s32 s8, s9;
	s15 =	ssub.s32 s21, s22;
	s16 =	sadd.s32 s24, s2  }
0xc: {  	s29 =	sadd.s32 s25, s23;
	s21 =	simm.s32 $0x1A900;
	s22 =	simm.s32 $0x1  }
0xd: {  	s23 =	simm.s32 $0x3;
	s24 =	simm.s32 $0x2;
	s25 =	simm.s32 $0x4  }
0xe: {  	s10 =	sshrl.u32 s7, $0x3;
	s7 =	sadd.s32 s20, s5;
	s8 =	sshrl.u32 s8, $0x3  }
0xf: {  	s30 =	sor.u32 $0x80, s29;
	s31 =	sor.u32 $0x100, s29;
	s20 =	simm.s32 $0x16880  }
0x10: {  	s11 =	sadd.s32 s10, s5;
	s14 =	sadd.s32 s8, s5;
	s5 =	sadd.s32 $0x86400, s7  }
0x11: {  	s8 =	sadd.s32 s13, s10;
	s10 =	smax.u32 s15, $0x1;
	s12 =	sshrl.u32 s30, $0x3  }
0x12: {  	s15 =	simm.s32 $0x5;
	s7 =	sadd.s32 $0x4400, s11;
	s9 =	sadd.s32 $0xAE400, s14  }
0x13: {  	s11 =	sadd.s32 $0x4F0, s8;
	s12 =	sadd.s32 s12, s13;
	s14 =	sshrl.u32 s31, $0x3  }
0x14: {  	s13 =	sadd.s32 s14, s13;
	s14 =	sshrl.u32 s16, $0x3;
	s16 =	simm.s32 $0x14000  }
.LBB2_1:
0x15: {  	[spmem:s14], [sflag:s6] =	dma.local [hbm:s5], $0x2800  }
0x16: {  	_ =	swait.ge [sflag:s15], $0x2800  }
0x17: {  	[sflag:s15] =	ssyncset.done $0x0  }
0x18: {  	[sflag:s15] =	ssyncadd.s32 $0xFFFFD800  }
0x19: {  	[tilespmem:s16], [sflag:$0x5] =	stream.linear.gather [hbm4b:s7+s3], $0x2800, $0x38;
	[tilespmem:$0x1E900] =	vst v63  }
0x1a: {  	_ =	swait.ge [sflag:s15], $0x2800  }
0x1b: {  	[sflag:s15] =	ssyncset.done $0x0  }
0x1c: {  	[sflag:s15] =	ssyncadd.s32 $0xFFFFD800  }
0x1d: {  	[bflag:$0x0] =	sbarrier.arrive $0xFFFF  }
0x1e: {  	[tilespmem:s17], [sflag:$0x3] =	stream.linear.gather [hbm4b:s8+s3], $0x80, $0x38;
	[tilespmem:$0x1E900] =	vst v63  }
0x1f: {  	_ = 	snop  }
0x20: {  	[tilespmem:s19], [sflag:$0x1] =	stream.indirect.gather [hbm4b:s4+s18], $0x80, s16, s18, $0xb8;
	[tilespmem:$0x1E900] =	vst v63  }
0x21: {  	s29 =	sadd.s32 $0x0, s12  }
0x22: {  	[tilespmem:s20], [sflag:$0x4] =	stream.linear.gather [hbm4b:s29+s3], $0x80, $0x38;
	[tilespmem:$0x1E900] =	vst v63  }
0x23: {  	s29 =	simm.s32 $0x14080  }
0x24: {  	[tilespmem:s21], [sflag:$0x2] =	stream.indirect.gather [hbm4b:s4+s18], $0x80, s29, s18, $0xb8;
	[tilespmem:$0x1E900] =	vst v63  }
0x25: {  	_ =	swait.ge [sflag:s22], $0x4000  }
0x26: {  	[sflag:s22] =	ssyncset.done $0x0  }
0x27: {  	[sflag:s22] =	ssyncadd.s32 $0xFFFFC000  }
0x28: {  	_ =	swait.ge [sflag:s23], $0x80  }
0x29: {  	[sflag:s23] =	ssyncset.done $0x0  }
0x2a: {  	[sflag:s23] =	ssyncadd.s32 $0xFFFFFF80  }
0x2b: {  	[spmem:s2] =	stream.indirect.scatter.add.f32 [tilespmem:s19], [sflag:$0x5], $0x80, s17, s18, $0xb8;
	[tilespmem:$0x1E900] =	vst v63  }
0x2c: {  	_ =	swait.ge [sflag:s15], $0x4000  }
0x2d: {  	[sflag:s15] =	ssyncset.done $0x0  }
0x2e: {  	s29 =	sadd.s32 $0x0, s13;
	[sflag:s15] =	ssyncadd.s32 $0xFFFFC000  }
0x2f: {  	[tilespmem:s17], [sflag:$0x3] =	stream.linear.gather [hbm4b:s29+s3], $0x80, $0x38;
	[tilespmem:$0x1E900] =	vst v63  }
0x30: {  	s29 =	simm.s32 $0x14100  }
0x31: {  	[tilespmem:s19], [sflag:$0x1] =	stream.indirect.gather [hbm4b:s4+s18], $0x80, s29, s18, $0xb8;
	[tilespmem:$0x1E900] =	vst v63  }
0x32: {  	_ =	swait.ge [sflag:s24], $0x4000  }
0x33: {  	[sflag:s24] =	ssyncset.done $0x0  }
0x34: {  	[sflag:s24] =	ssyncadd.s32 $0xFFFFC000  }
0x35: {  	_ =	swait.ge [sflag:s25], $0x80  }
0x36: {  	[sflag:s25] =	ssyncset.done $0x0  }
0x37: {  	[sflag:s25] =	ssyncadd.s32 $0xFFFFFF80  }
0x38: {  	[spmem:s2] =	stream.indirect.scatter.add.f32 [tilespmem:s21], [sflag:$0x5], $0x80, s20, s18, $0xb8;
	[tilespmem:$0x1E900] =	vst v63  }
0x39: {  	s31 =	simm.s32 $0x40;
	_ =	swait.ge [sflag:s15], $0x4000  }
0x3a: {  	s30 =	simm.s32 $0x14180;
	s29 =	simm.s32 $0x20;
	[sflag:s15] =	ssyncset.done $0x0  }
.LBB2_2:
0x3b: {  	s1 =	sadd.s32 s29, s12  }
0x3c: {  	[sflag:s15] =	ssyncadd.s32 $0xFFFFC000;
	s0 =	smov.u32 s31;
	s26 =	sadd.s32 $0x20, s31  }
0x3d: {  	[tilespmem:s20], [sflag:$0x4] =	stream.linear.gather [hbm4b:s1+s3], $0x80, $0x38;
	[tilespmem:$0x1E900] =	vst v63  }
0x3e: {  	p0 =	sne.s32 s31, $0x4C0  }
0x3f: {  	[tilespmem:s21], [sflag:$0x2] =	stream.indirect.gather [hbm4b:s4+s18], $0x80, s30, s18, $0xb8;
	[tilespmem:$0x1E900] =	vst v63  }
0x40: {  	_ =	swait.ge [sflag:s22], $0x4000  }
0x41: {  	[sflag:s22] =	ssyncset.done $0x0  }
0x42: {  	[sflag:s22] =	ssyncadd.s32 $0xFFFFC000  }
0x43: {  	_ =	swait.ge [sflag:s23], $0x80  }
0x44: {  	[sflag:s23] =	ssyncset.done $0x0  }
0x45: {  	[sflag:s23] =	ssyncadd.s32 $0xFFFFFF80  }
0x46: {  	[spmem:s2] =	stream.indirect.scatter.add.f32 [tilespmem:s19], [sflag:$0x5], $0x80, s17, s18, $0xb8;
	[tilespmem:$0x1E900] =	vst v63  }
0x47: {  	_ =	swait.ge [sflag:s15], $0x4000  }
0x48: {  	[sflag:s15] =	ssyncset.done $0x0  }
0x49: {  	s1 =	sadd.s32 s29, s13;
	s29 =	smov.u32 s0;
	[sflag:s15] =	ssyncadd.s32 $0xFFFFC000  }
0x4a: {  	[tilespmem:s17], [sflag:$0x3] =	stream.linear.gather [hbm4b:s1+s3], $0x80, $0x38;
	[tilespmem:$0x1E900] =	vst v63  }
0x4b: {  	s0 =	sadd.s32 $0x80, s30  }
0x4c: {  	[tilespmem:s19], [sflag:$0x1] =	stream.indirect.gather [hbm4b:s4+s18], $0x80, s0, s18, $0xb8;
	[tilespmem:$0x1E900] =	vst v63  }
0x4d: {  	_ =	swait.ge [sflag:s24], $0x4000  }
0x4e: {  	[sflag:s24] =	ssyncset.done $0x0  }
0x4f: {  	[sflag:s24] =	ssyncadd.s32 $0xFFFFC000  }
0x50: {  	_ =	swait.ge [sflag:s25], $0x80  }
.Ltmp0:
0x51: {  	[sflag:s25] =	ssyncset.done $0x0;
	(pc) =	sbr.rel @p0 .LBB2_2-.Ltmp0, $4  }
0x52: {  	[sflag:s25] =	ssyncadd.s32 $0xFFFFFF80  }
0x53: {  	[spmem:s2] =	stream.indirect.scatter.add.f32 [tilespmem:s21], [sflag:$0x5], $0x80, s20, s18, $0xb8;
	[tilespmem:$0x1E900] =	vst v63  }
0x54: {  	_ =	swait.ge [sflag:s15], $0x4000  }
0x55: {  	s31 =	smov.u32 s26;
	s30 =	sadd.s32 $0x100, s30;
	[sflag:s15] =	ssyncset.done $0x0  }
0x56: {  	s0 =	sadd.s32 s29, s12;
	[sflag:s15] =	ssyncadd.s32 $0xFFFFC000  }
0x57: {  	[tilespmem:s20], [sflag:$0x4] =	stream.linear.gather [hbm4b:s0+s3], $0x80, $0x38;
	[tilespmem:$0x1E900] =	vst v63  }
0x58: {  	_ = 	snop  }
0x59: {  	[tilespmem:s21], [sflag:$0x2] =	stream.indirect.gather [hbm4b:s4+s18], $0x80, s30, s18, $0xb8;
	[tilespmem:$0x1E900] =	vst v63  }
0x5a: {  	_ =	swait.ge [sflag:s22], $0x4000  }
0x5b: {  	[sflag:s22] =	ssyncset.done $0x0  }
0x5c: {  	[sflag:s22] =	ssyncadd.s32 $0xFFFFC000  }
0x5d: {  	_ =	swait.ge [sflag:s23], $0x80  }
0x5e: {  	[sflag:s23] =	ssyncset.done $0x0  }
0x5f: {  	[sflag:s23] =	ssyncadd.s32 $0xFFFFFF80  }
0x60: {  	[spmem:s2] =	stream.indirect.scatter.add.f32 [tilespmem:s19], [sflag:$0x5], $0x80, s17, s18, $0xb8;
	[tilespmem:$0x1E900] =	vst v63  }
0x61: {  	_ =	swait.ge [sflag:s15], $0x4000  }
0x62: {  	[sflag:s15] =	ssyncset.done $0x0  }
0x63: {  	s29 =	sadd.s32 s29, s13;
	[sflag:s15] =	ssyncadd.s32 $0xFFFFC000  }
0x64: {  	[tilespmem:s17], [sflag:$0x3] =	stream.linear.gather [hbm4b:s29+s3], $0x80, $0x38;
	[tilespmem:$0x1E900] =	vst v63  }
0x65: {  	s30 =	sadd.s32 $0x80, s30  }
0x66: {  	[tilespmem:s19], [sflag:$0x1] =	stream.indirect.gather [hbm4b:s4+s18], $0x80, s30, s18, $0xb8;
	[tilespmem:$0x1E900] =	vst v63  }
0x67: {  	_ =	swait.ge [sflag:s24], $0x4000  }
0x68: {  	[sflag:s24] =	ssyncset.done $0x0  }
0x69: {  	[sflag:s24] =	ssyncadd.s32 $0xFFFFC000  }
0x6a: {  	_ =	swait.ge [sflag:s25], $0x80  }
0x6b: {  	[sflag:s25] =	ssyncset.done $0x0  }
0x6c: {  	[sflag:s25] =	ssyncadd.s32 $0xFFFFFF80  }
0x6d: {  	[spmem:s2] =	stream.indirect.scatter.add.f32 [tilespmem:s21], [sflag:$0x5], $0x80, s20, s18, $0xb8;
	[tilespmem:$0x1E900] =	vst v63  }
0x6e: {  	_ =	swait.ge [sflag:s15], $0x4000  }
0x6f: {  	[sflag:s15] =	ssyncset.done $0x0  }
0x70: {  	[sflag:s15] =	ssyncadd.s32 $0xFFFFC000  }
0x71: {  	[tilespmem:s20], [sflag:$0x4] =	stream.linear.gather [hbm4b:s11+s3], $0x80, $0x38;
	[tilespmem:$0x1E900] =	vst v63  }
0x72: {  	s31 =	simm.s32 $0x16780  }
0x73: {  	[tilespmem:s21], [sflag:$0x2] =	stream.indirect.gather [hbm4b:s4+s18], $0x80, s31, s18, $0xb8;
	[tilespmem:$0x1E900] =	vst v63  }
0x74: {  	_ =	swait.ge [sflag:s22], $0x4000  }
0x75: {  	[sflag:s22] =	ssyncset.done $0x0  }
0x76: {  	[sflag:s22] =	ssyncadd.s32 $0xFFFFC000  }
0x77: {  	_ =	swait.ge [sflag:s23], $0x80  }
0x78: {  	[sflag:s23] =	ssyncset.done $0x0  }
0x79: {  	[sflag:s23] =	ssyncadd.s32 $0xFFFFFF80  }
0x7a: {  	[spmem:s2] =	stream.indirect.scatter.add.f32 [tilespmem:s19], [sflag:$0x5], $0x80, s17, s18, $0xb8;
	[tilespmem:$0x1E900] =	vst v63  }
0x7b: {  	_ =	swait.ge [sflag:s15], $0x4000  }
0x7c: {  	[sflag:s15] =	ssyncset.done $0x0  }
0x7d: {  	[sflag:s15] =	ssyncadd.s32 $0xFFFFC000  }
0x7e: {  	_ =	swait.ge [sflag:s24], $0x4000  }
0x7f: {  	[sflag:s24] =	ssyncset.done $0x0  }
0x80: {  	[sflag:s24] =	ssyncadd.s32 $0xFFFFC000  }
0x81: {  	_ =	swait.ge [sflag:s25], $0x80  }
0x82: {  	[sflag:s25] =	ssyncset.done $0x0  }
0x83: {  	[sflag:s25] =	ssyncadd.s32 $0xFFFFFF80  }
0x84: {  	[spmem:s2] =	stream.indirect.scatter.add.f32 [tilespmem:s21], [sflag:$0x5], $0x80, s20, s18, $0xb8;
	[tilespmem:$0x1E900] =	vst v63  }
0x85: {  	_ =	swait.ge [sflag:s15], $0x4000  }
0x86: {  	s28 =	sadd.s32 $0x1, s28;
	[sflag:s15] =	ssyncset.done $0x0  }
0x87: {  	p0 =	sne.s32 s28, s10;
	[sflag:s15] =	ssyncadd.s32 $0xFFFFC000  }
.Ltmp1:
0x88: {  	[bflag:$0x0] =	sbarrier.arrive $0xFFFF;
	(pc) =	sbr.rel @p0 .LBB2_1-.Ltmp1, $4  }
0x89: {  	[hbm:s9], [sflag:s6] =	dma.local [spmem:s14], $0x2800  }
0x8a: {  	_ =	swait.ge [sflag:s15], $0x2800  }
0x8b: {  	[sflag:s15] =	ssyncset.done $0x0  }
0x8c: {  	[sflag:s15] =	ssyncadd.s32 $0xFFFFD800  }
0x8d: {  	_ =	sfence.sel $0x180000  }
0x8e: {  	[bflag:$0x0] =	sbarrier.arrive $0xFFFF  }
0x8f: {  	_ =	strace $0x9000004D  }
0x90: {  	s0 =	stileid.u32;
	[bflag:$0x2] =	sbarrier.arrive $0xFFFF  }
0x91: {  	p0 =	sne.s32 s0, $0x0;
	s0 =	rddreg [dreg:$0x3]  }
0x92: {  	s0 =	sadd.s32 @!p0 $0x100000, s0  }
0x93: {  	[sflag:s0] =	ssyncadd.tile.s32 @!p0 $0x1;
	_ =	shalt  }
.Lfunc_end2:
_tile_overlayer_lowered:
.L_overlay_start_2:
0x94: {  	(tag) =	ssettag $0x2  }
0x95: {  	s0 =	rddreg [dreg:$0x0];
	s2 =	stileid.u32  }
0x96: {  	s1 =	rddreg [dreg:$0x1];
	p0 =	sne.s32 s2, $0x0  }
0x97: {  	s3 =	rddreg [dreg:$0x2];
	[bflag:$0x3] =	sbarrier.arrive $0xFFFF;
	s2 =	simm.s32 @!p0 $0x1C05  }
0x98: {  	[timem:s3], [sflag:s2] =	dma.local @!p0 [hbm:s0], s1  }
0x99: {  	s0 =	simm.s32 @!p0 $0x5  }
0x9a: {  	_ =	swait.ge @!p0 [sflag:s0], s1  }
0x9b: {  	s1 =	ssub.s32 @!p0 $0x0, s1;
	[sflag:s0] =	ssyncset.done @!p0 $0x0  }
0x9c: {  	[sflag:s0] =	ssyncadd.s32 @!p0 s1  }
0x9d: {  	[bflag:$0x3] =	sbarrier.arrive $0xFFFF  }
0x9e: {  	_ =	shalt  }

// kernel: kernel.8.cloned.1.call-start
scs
__scs_entry_jumppad:
0x0: {  	(pc) =	sbr.rel $0x88, $3  }
0x1: {  	(tag) =	ssettag $0x0;
	lr =	simm.s32 $0x1  }
0x2: {  	[smem:$0x3F97] =	sst lr;
	_ =	strace $0xD0000000  }
0x3: {  	_ = 	snop  }
0x4: {  	_ = 	snop  }
0x5: {  	_ = 	snop  }
0x6: {  	_ = 	snop  }
0x7: {  	_ = 	snop  }
__scs_overlays_trampoline_lowered:
0x8: {  	[smem:$0x3FA6] =	sst s0  }
0x9: {  	[smem:$0x3FA7] =	sst s1  }
0xa: {  	[smem:$0x3FA8] =	sst s2  }
0xb: {  	[smem:$0x3FA9] =	sst s3  }
0xc: {  	[smem:$0x3FAA] =	sst s4  }
0xd: {  	[smem:$0x3FAB] =	sst s5  }
0xe: {  	[smem:$0x3FAC] =	sst s6  }
0xf: {  	[smem:$0x3FAD] =	sst s7  }
0x10: {  	[smem:$0x3FAE] =	sst s8  }
0x11: {  	[smem:$0x3FAF] =	sst s9;
	s0 =	simm.s32 @!p0 $0x0  }
0x12: {  	s1 =	sld [smem:$0x3F95];
	s0 =	simm.s32 @p0 $0x1  }
0x13: {  	[smem:$0x3FB0] =	sst s0;
	s0 =	simm.s32 @!p1 $0x0  }
0x14: {  	s2 =	sld [smem:$0x3F94];
	s0 =	simm.s32 @p1 $0x1  }
0x15: {  	[smem:$0x3FB1] =	sst s0;
	s0 =	simm.s32 @!p2 $0x0  }
0x16: {  	s3 =	sld [smem:$0x3FDB];
	s0 =	simm.s32 @p2 $0x1  }
0x17: {  	s4 =	simm.s32 $0x1BF5;
	[smem:$0x3FB3] =	sst s0  }
0x18: {  	s0 =	sld [smem:$0x3F96];
	_ =	swait.ge [sflag:s4], $0x0  }
0x19: {  	s7 =	sld [smem:$0x3F97]  }
0x1a: {  	s8 =	sadd.s32 $0xFFFFE003, lr  }
0x1b: {  	s9 =	sadd.s32 $0xFFFFFEF7, lr;
	s5 =	simm.s32 $0xFFFFFFFF;
	p2 =	slt.u32 s8, $0xFFFFF086  }
0x1c: {  	p1 =	slt.u32 s9, $0xF7A;
	s5 =	simm.s32 @!p2 $0x0  }
0x1d: {  	s5 =	simm.s32 @p1 $0x1;
	p0 =	seq.s32 s7, s2  }
0x1e: {  	s7 =	smul.u32 @!p0 $0xF7A, s2;
	p2 =	seq.s32 @!p0 s5, $0x0  }
0x1f: {  	s9 =	smul.u32 $0xF7A, s1;
	s8 =	simm.s32 @!p0 $0x1BF5;
	p2 =	por !p2, p0  }
0x20: {  	[sflag:s8] =	ssyncset.s32 @!p0 $0xFFFFF086;
	s6 =	sadd.s32 @!p0 s3, s7;
	s7 =	simm.s32 @!p0 $0x108  }
0x21: {  	s3 =	sadd.s32 s3, s9;
	s6 =	sadd.s32 @!p0 $0x88, s6;
	s7 =	simm.s32 @p2 $0x1082  }
0x22: {  	[simem:s7], [sflag:s8] =	dma.local @!p0 [hbm:s6], $0xF7A  }
0x23: {  	s9 =	sor.u32 $0xD0000000, s2;
	s6 =	simm.s32 $0x108;
	_ =	swait.ge @!p0 [sflag:s8], $0x0  }
0x24: {  	s3 =	sadd.s32 $0x88, s3;
	s6 =	simm.s32 @!p1 $0x1082;
	[sflag:s4] =	ssyncset.s32 $0xFFFFF086  }
0x25: {  	[simem:s6], [sflag:s4] =	dma.local [hbm:s3], $0xF7A  }
0x26: {  	[smem:$0x3F97] =	sst s1;
	(tag) =	ssettag s2;
	_ =	strace s9  }
0x27: {  	s1 =	sld [smem:$0x3FA7]  }
0x28: {  	s2 =	sld [smem:$0x3FA8]  }
0x29: {  	s4 =	sld [smem:$0x3FAA]  }
0x2a: {  	p0 =	seq.s32 s5, $0x0;
	s5 =	sld [smem:$0x3FAB]  }
0x2b: {  	s6 =	sld [smem:$0x3FAC]  }
0x2c: {  	s7 =	sld [smem:$0x3FAD]  }
0x2d: {  	s3 =	simm.s32 $0x108;
	s8 =	sld [smem:$0x3FAE]  }
0x2e: {  	s3 =	simm.s32 @!p0 $0x1082;
	s9 =	sld [smem:$0x3FAF]  }
0x2f: {  	lr =	sadd.s32 s0, s3;
	s0 =	sld [smem:$0x3FA6]  }
0x30: {  	s3 =	sld [smem:$0x3FA9]  }
0x31: {  	[smem:$0x3FB2] =	sst s10  }
0x32: {  	s10 =	sld [smem:$0x3FB0];
	_ =	sdelay $0x3  }
0x33: {  	p0 =	seq.s32 s10, $0x1;
	s10 =	sld [smem:$0x3FB2];
	_ =	sdelay $0x3  }
0x34: {  	[smem:$0x3FB2] =	sst s10  }
0x35: {  	s10 =	sld [smem:$0x3FB1];
	_ =	sdelay $0x3  }
0x36: {  	p1 =	seq.s32 s10, $0x1;
	s10 =	sld [smem:$0x3FB2];
	_ =	sdelay $0x3  }
0x37: {  	[smem:$0x3FB2] =	sst s10  }
0x38: {  	s10 =	sld [smem:$0x3FB3]  }
0x39: {  	_ = 	snop;
	(pc) =	sbr.ind lr, $3  }
0x3a: {  	_ = 	snop  }
0x3b: {  	_ = 	snop  }
0x3c: {  	p2 =	seq.s32 s10, $0x1;
	s10 =	sld [smem:$0x3FB2]  }
0x3d: {  	_ =	shalt  }
0x3e: {  	_ =	shalt  }
0x3f: {  	_ =	shalt  }
0x40: {  	_ =	shalt  }
0x41: {  	_ =	shalt  }
0x42: {  	_ =	shalt  }
0x43: {  	_ =	shalt  }
0x44: {  	_ =	shalt  }
0x45: {  	_ =	shalt  }
0x46: {  	_ =	shalt  }
0x47: {  	_ =	shalt  }
0x48: {  	_ =	shalt  }
0x49: {  	_ =	shalt  }
0x4a: {  	_ =	shalt  }
0x4b: {  	_ =	shalt  }
0x4c: {  	_ =	shalt  }
0x4d: {  	_ =	shalt  }
0x4e: {  	_ =	shalt  }
0x4f: {  	_ =	shalt  }
0x50: {  	_ =	shalt  }
0x51: {  	_ =	shalt  }
0x52: {  	_ =	shalt  }
0x53: {  	_ =	shalt  }
0x54: {  	_ =	shalt  }
0x55: {  	_ =	shalt  }
0x56: {  	_ =	shalt  }
0x57: {  	_ =	shalt  }
0x58: {  	_ =	shalt  }
0x59: {  	_ =	shalt  }
0x5a: {  	_ =	shalt  }
0x5b: {  	_ =	shalt  }
0x5c: {  	_ =	shalt  }
0x5d: {  	_ =	shalt  }
0x5e: {  	_ =	shalt  }
0x5f: {  	_ =	shalt  }
0x60: {  	_ =	shalt  }
0x61: {  	_ =	shalt  }
0x62: {  	_ =	shalt  }
0x63: {  	_ =	shalt  }
0x64: {  	_ =	shalt  }
0x65: {  	_ =	shalt  }
0x66: {  	_ =	shalt  }
0x67: {  	_ =	shalt  }
0x68: {  	_ =	shalt  }
0x69: {  	_ =	shalt  }
0x6a: {  	_ =	shalt  }
0x6b: {  	_ =	shalt  }
0x6c: {  	_ =	shalt  }
0x6d: {  	_ =	shalt  }
0x6e: {  	_ =	shalt  }
0x6f: {  	_ =	shalt  }
0x70: {  	_ =	shalt  }
0x71: {  	_ =	shalt  }
0x72: {  	_ =	shalt  }
0x73: {  	_ =	shalt  }
0x74: {  	_ =	shalt  }
0x75: {  	_ =	shalt  }
0x76: {  	_ =	shalt  }
0x77: {  	_ =	shalt  }
0x78: {  	_ =	shalt  }
0x79: {  	_ =	shalt  }
0x7a: {  	_ =	shalt  }
0x7b: {  	_ =	shalt  }
0x7c: {  	_ =	shalt  }
0x7d: {  	_ =	shalt  }
0x7e: {  	_ =	shalt  }
0x7f: {  	_ =	shalt  }
0x80: {  	_ =	shalt  }
0x81: {  	_ =	shalt  }
0x82: {  	_ =	shalt  }
0x83: {  	_ =	shalt  }
0x84: {  	_ =	shalt  }
0x85: {  	_ =	shalt  }
0x86: {  	_ =	shalt  }
0x87: {  	_ =	shalt  }
.Lfunc_end0:
.L_simem_size_0:
called_computation_lowered:
.L_overlay_start_0:
0x88: {  	s2 =	sld [smem:$0x3FD9]  }
0x89: {  	s3 =	sld [smem:$0x3FFE];
	_ =	sdelay $0x1  }
0x8a: {  	s1 =	srdreg.scid  }
0x8b: {  	s0 =	sand.u32 $0x1, s1  }
0x8c: {  	s17 =	sshll.u32 s0, $0xA;
	s2 =	sadd.s32 s3, s2  }
0x8d: {  	s2 =	sadd.s32 s2, s17  }
0x8e: {  	[smem:$0x3FBE] =	sst s2  }
0x8f: {  	_ = 	snop  }
0x90: {  	s2 =	sld [smem:$0x3FD0];
	(tm) =	ssettm $0x1  }
0x91: {  	s18 =	sld [smem:$0x3FFB];
	_ =	sdelay $0x3  }
0x92: {  	_ =	strace s18  }
0x93: {  	s3 =	sld [smem:$0x3FFC];
	_ =	sdelay $0x3  }
0x94: {  	_ =	strace s3  }
0x95: {  	s3 =	sld [smem:$0x3FFD];
	_ =	sdelay $0x3  }
0x96: {  	_ =	strace s3  }
0x97: {  	_ =	strace $0x8FFFFFFF  }
0x98: {  	s19 =	sld [smem:$0x3FDB];
	_ =	sdelay $0x1  }
0x99: {  	s4 =	simm.s32 $_scs_section_size  }
0x9a: {  	s5 =	simm.s32 $_size__tile_overlayer_lowered;
	s6 =	simm.s32 $_tile_overlayer_lowered  }
0x9b: {  	s22 =	simm.s32 $0x1BFF;
	s21 =	sshll.u32 s6, $0x1;
	s3 =	sadd.s32 s4, s19  }
0x9c: {  	s7 =	simm.s32 $0x0;
	s20 =	sshll.u32 s5, $0x1;
	s5 =	sadd.s32 s21, s3  }
0x9d: {  	[timem:s7], [sflag:s22] =	dma.local [hbm:s5], s20  }
0x9e: {  	_ =	swait.ge [sflag:s22], s20  }
0x9f: {  	s4 =	ssub.s32 $0x0, s20;
	[sflag:s22] =	ssyncset.done $0x0  }
0xa0: {  	[sflag:s22] =	ssyncadd.s32 s4;
	_ =	sdelay $0x1  }
0xa1: {  	s23 =	simm.s32 $0x1B8B  }
0xa2: {  	_ =	swait.ge [sflag:s23], $0x1  }
0xa3: {  	[sflag:s23] =	ssyncset.done $0x0  }
0xa4: {  	s25 =	simm.s32 $0x1B8E;
	s24 =	sld [smem:$0x3FFE];
	[sflag:s23] =	ssyncadd.s32 $0xFFFFFFFF  }
0xa5: {  	s26 =	simm.s32 $execute0_lowered;
	[smem:$0x3FD2] =	sst s25  }
0xa6: {  	s5 =	sshll.u32 s26, $0x1;
	_ =	strace $0x80000046;
	[dreg:$0x1] =	wrdreg $0xFFFFFFFF  }
0xa7: {  	s28 =	simm.s32 $_size_execute0_lowered;
	s3 =	sadd.s32 s3, s5;
	[dreg:$0x0] =	wrdreg $0x0  }
0xa8: {  	s5 =	sshll.u32 s28, $0x1;
	[dreg:$0x2] =	wrdreg s3  }
0xa9: {  	[dreg:$0x3] =	wrdreg s5  }
0xaa: {  	[dreg:$0x4] =	wrdreg $0xC0  }
0xab: {  	_ =	task [dreg:s7], $0x5FFFF  }
0xac: {  	[dreg:$0x1] =	wrdreg $0xFFFFFFFF  }
0xad: {  	[dreg:$0x0] =	wrdreg $0x60  }
0xae: {  	[dreg:$0x2] =	wrdreg s2  }
0xaf: {  	[dreg:$0x3] =	wrdreg s24  }
0xb0: {  	[dreg:$0x4] =	wrdreg $0x0  }
0xb1: {  	[dreg:$0x5] =	wrdreg $0x9  }
0xb2: {  	_ =	task.clear_ibuf [dreg:s7], $0x6FFFF;
	_ =	strace $0x90000046  }
0xb3: {  	s29 =	simm.s32 $0x9;
	_ =	strace $0x80000048  }
0xb4: {  	_ =	swait.ge [sflag:s29], $0x1  }
0xb5: {  	[sflag:s29] =	ssyncadd.s32 $0xFFFFFFFF  }
0xb6: {  	_ =	strace $0x90000048  }
0xb7: {  	_ =	sfence  }
0xb8: {  	s30 =	sld [smem:$0x0];
	_ =	sdelay $0x2  }
0xb9: {  	s31 =	sshll.u32 s1, $0xD;
	s1 =	sshrl.u32 s1, $0x2  }
0xba: {  	s3 =	sand.u32 $0x4000, s31;
	s1 =	sadd.s32 s1, s30  }
0xbb: {  	s0 =	sor.u32 s3, s0;
	s1 =	sshll.u32 s1, $0x11  }
0xbc: {  	s0 =	sor.u32 s1, s0  }
0xbd: {  	s0 =	sadd.s32 $0x8F2B, s0  }
0xbe: {  	[sflag:s0] =	ssyncadd.remote.s32 $0x1  }
0xbf: {  	_ =	sfence.sel $0xFFFF  }
0xc0: {  	[dreg:$0x0] =	wrdreg $0xFFFFFFFF;
	(pc) =	sbr.abs _section_cstart, $3  }
0xc1: {  	[dreg:$0x1] =	wrdreg $0xFFFFFFFF  }
0xc2: {  	_ =	task.clear_ibuf [dreg:s7], $0x2FFFF;
	_ =	strace $0x9FFFFFFF  }
0xc3: {  	(tm) =	ssettm $0x7FFFFFFF  }
tec
execute0_lowered:
.L_overlay_start_1:
0x0: {  	(tag) =	ssettag $0x1  }
0x1: {  	s11 =	rddreg [dreg:$0x0]  }
0x2: {  	s4 =	rddreg [dreg:$0x1]  }
0x3: {  	s2 =	rddreg [dreg:$0x2]  }
0x4: {  	s0 =	stileid.u32;
	s6 =	srdreg.scid  }
0x5: {  	s1 =	rddreg [dreg:$0x3];
	s3 =	simm.s32 $0x0;
	s14 =	simm.s32 $0x280  }
0x6: {  	s15 =	simm.s32 $0x300;
	s16 =	simm.s32 $0x80;
	s17 =	simm.s32 $0x380  }
0x7: {  	s18 =	simm.s32 $0x0;
	s5 =	smul.u32 $0x280, s0;
	s6 =	sand.u32 $0x1, s6  }
0x8: {  	[smem:$0x7FF] =	sst s3;
	s12 =	sshll.u32 s0, $0x1;
	s29 =	smul.u32 $0x5000, s0  }
0x9: {  	s28 =	sshll.u32 s0, $0x6;
	s8 =	smul.u32 $0x2800, s6;
	_ =	strace $0x80000047  }
0xa: {  	s10 =	ssub.s32 $0x2, s6;
	s6 =	sor.u32 s6, s12;
	s7 =	sshrl.u32 s5, $0x3  }
0xb: {  	s13 =	sshrl.u32 s10, $0x1;
	s6 =	smul.u32 $0x2800, s6;
	s26 =	sadd.s32 s5, s2  }
0xc: {  	s7 =	sadd.s32 s7, s4;
	s9 =	sadd.s32 s5, s8;
	s10 =	ssub.s32 s10, s13  }
0xd: {  	s5 =	sor.u32 $0x1C01, s28;
	s30 =	sadd.s32 s8, s29;
	s12 =	sshrl.u32 s26, $0x3  }
0xe: {  	s9 =	sshrl.u32 s9, $0x3;
	s6 =	sshrl.u32 s6, $0x3;
	s8 =	smax.u32 s10, $0x1  }
0xf: {  	s31 =	sor.u32 $0x100, s30;
	s13 =	sor.u32 $0x80, s30;
	s9 =	sadd.s32 s9, s4  }
0x10: {  	s4 =	sadd.s32 $0x3400, s7;
	s6 =	sadd.s32 s11, s6;
	s10 =	sshrl.u32 s31, $0x3  }
0x11: {  	s13 =	sshrl.u32 s13, $0x3;
	s7 =	sadd.s32 $0x3A00, s9;
	s9 =	sadd.s32 $0x4F0, s6  }
0x12: {  	v0 =	vimm.f32 $1.000000000e+00;
	s10 =	sadd.s32 s10, s11;
	s11 =	sadd.s32 s13, s11;
	s13 =	simm.s32 $0x1  }
.LBB2_1:
0x13: {  	[tilespmem:$0x380] =	vst v0  }
0x14: {  	[tilespmem:$0x390] =	vst v0  }
0x15: {  	[tilespmem:$0x3A0] =	vst v0  }
0x16: {  	[tilespmem:$0x3B0] =	vst v0  }
0x17: {  	[tilespmem:$0x3C0] =	vst v0  }
0x18: {  	[tilespmem:$0x3D0] =	vst v0  }
0x19: {  	[tilespmem:$0x3E0] =	vst v0  }
0x1a: {  	[tilespmem:$0x3F0] =	vst v0  }
0x1b: {  	[spmem:s12], [sflag:s5] =	dma.local [hbm:s4], $0x50  }
0x1c: {  	_ =	swait.ge [sflag:s13], $0x50  }
0x1d: {  	[sflag:s13] =	ssyncset.done $0x0  }
0x1e: {  	[sflag:s13] =	ssyncadd.s32 $0xFFFFFFB0  }
0x1f: {  	[bflag:$0x0] =	sbarrier.arrive $0xFFFF  }
0x20: {  	[tilespmem:s14], [sflag:$0x1] =	stream.linear.gather [hbm4b:s6+s3], $0x80, $0x38;
	[tilespmem:$0x400] =	vst v63  }
0x21: {  	_ =	swait.ge [sflag:s13], $0x80  }
0x22: {  	[sflag:s13] =	ssyncset.done $0x0  }
0x23: {  	s19 =	sadd.s32 $0x0, s11;
	[sflag:s13] =	ssyncadd.s32 $0xFFFFFF80  }
0x24: {  	[tilespmem:s15], [sflag:$0x1] =	stream.linear.gather [hbm4b:s19+s3], $0x80, $0x38;
	[tilespmem:$0x400] =	vst v63  }
0x25: {  	_ =	swait.ge [sflag:s13], $0x80  }
0x26: {  	[sflag:s13] =	ssyncset.done $0x0  }
0x27: {  	[sflag:s13] =	ssyncadd.s32 $0xFFFFFF80  }
0x28: {  	[spmem:s2] =	stream.indirect.scatter.add.f32 [tilespmem:s17], [sflag:$0x1], $0x1, s14, s16, $0xb8;
	[tilespmem:$0x400] =	vst v63  }
0x29: {  	_ =	swait.ge [sflag:s13], $0x80  }
0x2a: {  	[sflag:s13] =	ssyncset.done $0x0  }
0x2b: {  	s31 =	sadd.s32 $0x0, s10;
	[sflag:s13] =	ssyncadd.s32 $0xFFFFFF80  }
0x2c: {  	[tilespmem:s14], [sflag:$0x1] =	stream.linear.gather [hbm4b:s31+s3], $0x80, $0x38;
	[tilespmem:$0x400] =	vst v63  }
0x2d: {  	_ =	swait.ge [sflag:s13], $0x80  }
0x2e: {  	[sflag:s13] =	ssyncset.done $0x0  }
0x2f: {  	[sflag:s13] =	ssyncadd.s32 $0xFFFFFF80  }
0x30: {  	[spmem:s2] =	stream.indirect.scatter.add.f32 [tilespmem:s17], [sflag:$0x1], $0x1, s15, s16, $0xb8;
	[tilespmem:$0x400] =	vst v63  }
0x31: {  	_ =	swait.ge [sflag:s13], $0x80  }
0x32: {  	s20 =	simm.s32 $0x40;
	s19 =	simm.s32 $0x20;
	[sflag:s13] =	ssyncset.done $0x0  }
.LBB2_2:
0x33: {  	s21 =	sadd.s32 s19, s11  }
0x34: {  	[sflag:s13] =	ssyncadd.s32 $0xFFFFFF80;
	s22 =	smov.u32 s20;
	s23 =	sadd.s32 $0x20, s20  }
0x35: {  	[tilespmem:s15], [sflag:$0x1] =	stream.linear.gather [hbm4b:s21+s3], $0x80, $0x38;
	[tilespmem:$0x400] =	vst v63  }
0x36: {  	p0 =	sne.s32 s20, $0x4C0;
	_ =	swait.ge [sflag:s13], $0x80  }
0x37: {  	[sflag:s13] =	ssyncset.done $0x0  }
0x38: {  	[sflag:s13] =	ssyncadd.s32 $0xFFFFFF80  }
0x39: {  	[spmem:s2] =	stream.indirect.scatter.add.f32 [tilespmem:s17], [sflag:$0x1], $0x1, s14, s16, $0xb8;
	[tilespmem:$0x400] =	vst v63  }
0x3a: {  	_ =	swait.ge [sflag:s13], $0x80  }
0x3b: {  	[sflag:s13] =	ssyncset.done $0x0  }
0x3c: {  	s20 =	sadd.s32 s19, s10;
	s19 =	smov.u32 s22;
	[sflag:s13] =	ssyncadd.s32 $0xFFFFFF80  }
0x3d: {  	[tilespmem:s14], [sflag:$0x1] =	stream.linear.gather [hbm4b:s20+s3], $0x80, $0x38;
	[tilespmem:$0x400] =	vst v63  }
0x3e: {  	_ =	swait.ge [sflag:s13], $0x80  }
.Ltmp0:
0x3f: {  	[sflag:s13] =	ssyncset.done $0x0;
	(pc) =	sbr.rel @p0 .LBB2_2-.Ltmp0, $4  }
0x40: {  	[sflag:s13] =	ssyncadd.s32 $0xFFFFFF80  }
0x41: {  	[spmem:s2] =	stream.indirect.scatter.add.f32 [tilespmem:s17], [sflag:$0x1], $0x1, s15, s16, $0xb8;
	[tilespmem:$0x400] =	vst v63  }
0x42: {  	_ =	swait.ge [sflag:s13], $0x80  }
0x43: {  	s20 =	smov.u32 s23;
	[sflag:s13] =	ssyncset.done $0x0  }
0x44: {  	s20 =	sadd.s32 s19, s11;
	[sflag:s13] =	ssyncadd.s32 $0xFFFFFF80  }
0x45: {  	[tilespmem:s15], [sflag:$0x1] =	stream.linear.gather [hbm4b:s20+s3], $0x80, $0x38;
	[tilespmem:$0x400] =	vst v63  }
0x46: {  	_ =	swait.ge [sflag:s13], $0x80  }
0x47: {  	[sflag:s13] =	ssyncset.done $0x0  }
0x48: {  	[sflag:s13] =	ssyncadd.s32 $0xFFFFFF80  }
0x49: {  	[spmem:s2] =	stream.indirect.scatter.add.f32 [tilespmem:s17], [sflag:$0x1], $0x1, s14, s16, $0xb8;
	[tilespmem:$0x400] =	vst v63  }
0x4a: {  	_ =	swait.ge [sflag:s13], $0x80  }
0x4b: {  	[sflag:s13] =	ssyncset.done $0x0  }
0x4c: {  	s31 =	sadd.s32 s19, s10;
	[sflag:s13] =	ssyncadd.s32 $0xFFFFFF80  }
0x4d: {  	[tilespmem:s14], [sflag:$0x1] =	stream.linear.gather [hbm4b:s31+s3], $0x80, $0x38;
	[tilespmem:$0x400] =	vst v63  }
0x4e: {  	_ =	swait.ge [sflag:s13], $0x80  }
0x4f: {  	[sflag:s13] =	ssyncset.done $0x0  }
0x50: {  	[sflag:s13] =	ssyncadd.s32 $0xFFFFFF80  }
0x51: {  	[spmem:s2] =	stream.indirect.scatter.add.f32 [tilespmem:s17], [sflag:$0x1], $0x1, s15, s16, $0xb8;
	[tilespmem:$0x400] =	vst v63  }
0x52: {  	_ =	swait.ge [sflag:s13], $0x80  }
0x53: {  	[sflag:s13] =	ssyncset.done $0x0  }
0x54: {  	[sflag:s13] =	ssyncadd.s32 $0xFFFFFF80  }
0x55: {  	[tilespmem:s15], [sflag:$0x1] =	stream.linear.gather [hbm4b:s9+s3], $0x80, $0x38;
	[tilespmem:$0x400] =	vst v63  }
0x56: {  	_ =	swait.ge [sflag:s13], $0x80  }
0x57: {  	[sflag:s13] =	ssyncset.done $0x0  }
0x58: {  	[sflag:s13] =	ssyncadd.s32 $0xFFFFFF80  }
0x59: {  	[spmem:s2] =	stream.indirect.scatter.add.f32 [tilespmem:s17], [sflag:$0x1], $0x1, s14, s16, $0xb8;
	[tilespmem:$0x400] =	vst v63  }
0x5a: {  	_ =	swait.ge [sflag:s13], $0x80  }
0x5b: {  	[sflag:s13] =	ssyncset.done $0x0  }
0x5c: {  	[sflag:s13] =	ssyncadd.s32 $0xFFFFFF80  }
0x5d: {  	[spmem:s2] =	stream.indirect.scatter.add.f32 [tilespmem:s17], [sflag:$0x1], $0x1, s15, s16, $0xb8;
	[tilespmem:$0x400] =	vst v63  }
0x5e: {  	_ =	swait.ge [sflag:s13], $0x80  }
0x5f: {  	s18 =	sadd.s32 $0x1, s18;
	[sflag:s13] =	ssyncset.done $0x0  }
0x60: {  	p0 =	sne.s32 s18, s8;
	[sflag:s13] =	ssyncadd.s32 $0xFFFFFF80  }
.Ltmp1:
0x61: {  	[bflag:$0x0] =	sbarrier.arrive $0xFFFF;
	(pc) =	sbr.rel @p0 .LBB2_1-.Ltmp1, $4  }
0x62: {  	[hbm:s7], [sflag:s5] =	dma.local [spmem:s12], $0x50  }
0x63: {  	_ =	swait.ge [sflag:s13], $0x50  }
0x64: {  	[sflag:s13] =	ssyncset.done $0x0  }
0x65: {  	[sflag:s13] =	ssyncadd.s32 $0xFFFFFFB0  }
0x66: {  	_ =	sfence.sel $0x180000  }
0x67: {  	[bflag:$0x0] =	sbarrier.arrive $0xFFFF  }
0x68: {  	p0 =	sne.s32 s0, $0x0;
	_ =	strace $0x90000047  }
0x69: {  	s0 =	sadd.s32 @!p0 $0x100000, s1;
	[bflag:$0x2] =	sbarrier.arrive $0xFFFF  }
0x6a: {  	[sflag:s0] =	ssyncadd.tile.s32 @!p0 $0x1;
	_ =	shalt  }
.Lfunc_end2:
_tile_overlayer_lowered:
.L_overlay_start_2:
0x6b: {  	(tag) =	ssettag $0x2  }
0x6c: {  	s0 =	rddreg [dreg:$0x0];
	s2 =	stileid.u32  }
0x6d: {  	s1 =	rddreg [dreg:$0x1];
	p0 =	sne.s32 s2, $0x0  }
0x6e: {  	s3 =	rddreg [dreg:$0x2];
	[bflag:$0x3] =	sbarrier.arrive $0xFFFF;
	s2 =	simm.s32 @!p0 $0x1C01  }
0x6f: {  	[timem:s3], [sflag:s2] =	dma.local @!p0 [hbm:s0], s1  }
0x70: {  	s0 =	simm.s32 @!p0 $0x1  }
0x71: {  	_ =	swait.ge @!p0 [sflag:s0], s1  }
0x72: {  	s1 =	ssub.s32 @!p0 $0x0, s1;
	[sflag:s0] =	ssyncset.done @!p0 $0x0  }
0x73: {  	[sflag:s0] =	ssyncadd.s32 @!p0 s1  }
0x74: {  	[bflag:$0x3] =	sbarrier.arrive $0xFFFF  }
0x75: {  	_ =	shalt  }

</sc_bundles>
